<compile_context>
chip_gen: v7x
topology: tpu7x:2x2x1
jax: 0.10.2.dev20260603
libtpu: 0.0.44.dev20260713+nightly
codegen_flags: <defaults>
</compile_context>

<pallas_src>
import functools

import jax
import jax.numpy as jnp
from jax import lax
from jax.experimental import pallas as pl
from jax.experimental.pallas import tpu as pltpu
from jax.experimental.pallas import tpu_sc as plsc

D_MODEL = 64
SAMPLE = 200
BATCH = 4096
LANES = 16
NUM_CORES = 2
NUM_SUBCORES = 16
NUM_WORKERS = NUM_CORES * NUM_SUBCORES
NB = BATCH // NUM_WORKERS
CHUNK = 100
SEAM = 104
GROUPS = 13
ROWS = SAMPLE + 16
UNROLL = 4


def _sc_body(h_hbm, idx_hbm, tbl_hbm, out_hbm,
             h_v, idx_v, rows0, rows1, out_st, sg0, sg1):
    wid = lax.axis_index("s") * NUM_CORES + lax.axis_index("c")
    b0 = wid * NB

    pltpu.sync_copy(h_hbm.at[pl.ds(b0 * D_MODEL, NB * D_MODEL)], h_v)
    pltpu.sync_copy(idx_hbm.at[pl.ds(wid * (2 * NB), 2 * NB)], idx_v)

    iota = lax.iota(jnp.int32, LANES)
    rowidx = []
    for g in range(GROUPS):
        s = LANES * g + jnp.arange(LANES, dtype=jnp.int32)
        rowidx.append(jnp.asarray(s + (SEAM - CHUNK) * (s >= CHUNK)))

    def gather_cps(bl, rows, sem):
        return [
            pltpu.make_async_copy(
                tbl_hbm.at[idx_v.at[2 * bl + c]],
                rows.at[pl.ds(SEAM * c, CHUNK)],
                sem,
            )
            for c in range(2)
        ]

    def fire(bl, rows, sem):
        for cp in gather_cps(bl, rows, sem):
            cp.start()

    def wait(bl, rows, sem):
        for cp in gather_cps(bl, rows, sem):
            cp.wait()

    def compute(bl, rows):
        hbase = bl * D_MODEL

        def dbody(i, accs):
            for k in range(UNROLL):
                d = i * UNROLL + k
                colv = (iota + d) & (D_MODEL - 1)
                hb = plsc.load_gather(h_v, [hbase + colv])
                accs = tuple(
                    acc + hb * plsc.load_gather(rows, [rowidx[g], colv])
                    for g, acc in enumerate(accs)
                )
            return accs

        zero = jnp.zeros((LANES,), jnp.float32)
        accs = lax.fori_loop(0, D_MODEL // UNROLL, dbody, (zero,) * GROUPS)

        obase = bl * SAMPLE
        for g in range(GROUPS):
            out_st[pl.ds(obase + LANES * g, LANES)] = accs[g]

    fire(0, rows0, sg0)

    def pair(i, carry):
        a = 2 * i
        fire(a + 1, rows1, sg1)
        wait(a, rows0, sg0)
        compute(a, rows0)

        @pl.when(i < NB // 2 - 1)
        def _():
            fire(a + 2, rows0, sg0)

        wait(a + 1, rows1, sg1)
        compute(a + 1, rows1)
        return carry

    lax.fori_loop(0, NB // 2, pair, 0)

    pltpu.sync_copy(
        out_st.at[pl.ds(0, NB * SAMPLE)],
        out_hbm.at[pl.ds(wid * NB * SAMPLE, NB * SAMPLE)],
    )


@jax.jit
def _embedding_dot(h2, idx2, tablep):
    mesh = plsc.VectorSubcoreMesh(
        core_axis_name="c", subcore_axis_name="s",
        num_cores=NUM_CORES, num_subcores=NUM_SUBCORES,
    )
    call = functools.partial(
        pl.kernel,
        out_type=jax.ShapeDtypeStruct((BATCH * SAMPLE,), jnp.float32),
        mesh=mesh,
        scratch_types=[
            pltpu.VMEM((NB * D_MODEL,), jnp.float32),
            pltpu.VMEM((2 * NB, CHUNK), jnp.int32),
            pltpu.VMEM((ROWS, 2 * D_MODEL), jnp.float32),
            pltpu.VMEM((ROWS, 2 * D_MODEL), jnp.float32),
            pltpu.VMEM((NB * SAMPLE + 8,), jnp.float32),
            pltpu.SemaphoreType.DMA,
            pltpu.SemaphoreType.DMA,
        ],
        compiler_params=pltpu.CompilerParams(
            needs_layout_passes=False, use_tc_tiling_on_sc=True
        ),
    )
    return call(_sc_body)(h2, idx2, tablep)


def kernel(h, indicies, embedding_weight):
    b, s = indicies.shape
    h2 = jnp.reshape(h, (b * D_MODEL,))
    idx2 = jnp.reshape(indicies.astype(jnp.int32), (2 * b, CHUNK))
    tablep = jnp.pad(embedding_weight, ((0, 0), (0, D_MODEL)))
    out = _embedding_dot(h2, idx2, tablep)
    return jnp.reshape(out, (b, 1, s))

# --- scband reference (transcript-rebuilt; emitter-appended) ---
"""Pipeline reference for scband-embedding-dot-56023553409548 (READ-ONLY COPY).

The authoritative reference and input builder live on the scoring server;
editing this copy changes nothing except your own understanding.
"""

import jax, jax.numpy as jnp
import numpy as np

D_MODEL = 64
NUM_ITEM = 1000000
BATCH = 4096
SAMPLE = 200


def setup_inputs(seed: int = 0) -> dict:
    key = jax.random.key(seed)
    k1, k2, k3 = jax.random.split(key, 3)
    h = jax.random.normal(k1, (BATCH, 1, D_MODEL), dtype=jnp.float32)
    indicies = jax.random.randint(k2, (BATCH, SAMPLE), 0, NUM_ITEM, dtype=jnp.int64)
    # nn.Embedding default init: N(0, 1)
    embedding_weight = jax.random.normal(k3, (NUM_ITEM, D_MODEL), dtype=jnp.float32)
    return {"h": h, "indicies": indicies, "embedding_weight": embedding_weight}


def reference(h, indicies, embedding_weight):
    # w = self.embedding(indicies)
    w = jnp.take(embedding_weight, indicies, axis=0)  # (B, S, D)
    # reshape (-1, indicies.size(1), d_model)
    w = jnp.reshape(w, (-1, indicies.shape[1], D_MODEL))
    # out = torch.matmul(h, w.mT) -> (B, 1, S)
    out = jnp.matmul(h, jnp.swapaxes(w, -1, -2))
    return out

if __name__ == "__main__":
    import jax
    _d = setup_inputs()
    print(jax.jit(kernel)(*tuple(_d.values())))

</pallas_src>

<mosaic_0001>
#map = affine_map<(d0, d1) -> (0)>
#map1 = affine_map<(d0, d1) -> (0, 0)>
module attributes {stable_mosaic.version = 14 : i64} {
  func.func @_sc_body(%arg0: i32, %arg1: i32, %arg2: memref<262144xf32, #tpu.memory_space<hbm>>, %arg3: memref<8192x100xi32, #tpu.memory_space<hbm>>, %arg4: memref<1000000x128xf32, #tpu.memory_space<hbm>>, %arg5: memref<819200xf32, #tpu.memory_space<hbm>>, %arg6: memref<8192xf32, #tpu.memory_space<vmem>>, %arg7: memref<256x100xi32, #tpu.memory_space<vmem>>, %arg8: memref<216x128xf32, #tpu.memory_space<vmem>>, %arg9: memref<216x128xf32, #tpu.memory_space<vmem>>, %arg10: memref<25608xf32, #tpu.memory_space<vmem>>, %arg11: memref<!tpu.dma_semaphore, #tpu.memory_space<semaphore_mem>>, %arg12: memref<!tpu.dma_semaphore, #tpu.memory_space<semaphore_mem>>) attributes {dimension_semantics = [#tpu.dimension_semantics<core_parallel>, #tpu.dimension_semantics<subcore_parallel>], iteration_bounds = array<i64: 2, 16>, scalar_prefetch = 0 : i64, scratch_operands = 7 : i64, tpu.core_type = #tpu.core_type<sc_vector_subcore>, window_params = [{transform_indices = #map}, {transform_indices = #map1}, {transform_indices = #map1}, {transform_indices = #map}]} {
    %mul3A = arith.constant 2 : i32
    %mul3A_0 = arith.muli %arg1, %mul3A : i32
    %add3A = arith.addi %mul3A_0, %arg0 : i32
    %mul3A_1 = arith.constant 128 : i32
    %mul3A_2 = arith.muli %add3A, %mul3A_1 : i32
    %mul3A_3 = arith.constant 64 : i32
    %mul3A_4 = arith.muli %mul3A_2, %mul3A_3 : i32
    "tpu.region"() ({
      %run_scoped3A = tpu.sem_alloc : memref<!tpu.dma_semaphore, #tpu.memory_space<semaphore_mem>>
      %dma_start3A_189 = tpu.memref_slice %arg2[%mul3A_4] : memref<262144xf32, #tpu.memory_space<hbm>> -> memref<8192xf32, #tpu.memory_space<hbm>>
      %dma_start3A_190 = tpu.memref_slice %arg2[%mul3A_4] : memref<262144xf32, #tpu.memory_space<hbm>> -> memref<8192xf32, #tpu.memory_space<hbm>>
      tpu.enqueue_dma source(%dma_start3A_190 : memref<8192xf32, #tpu.memory_space<hbm>>) target(%arg6 : memref<8192xf32, #tpu.memory_space<vmem>>) target_semaphore(%run_scoped3A : memref<!tpu.dma_semaphore, #tpu.memory_space<semaphore_mem>>)
      %dma_wait3A = tpu.memref_slice %arg2[%mul3A_4] : memref<262144xf32, #tpu.memory_space<hbm>> -> memref<8192xf32, #tpu.memory_space<hbm>>
      %dma_wait3A_191 = tpu.memref_slice %arg2[%mul3A_4] : memref<262144xf32, #tpu.memory_space<hbm>> -> memref<8192xf32, #tpu.memory_space<hbm>>
      tpu.wait_dma2 semaphore(%run_scoped3A : memref<!tpu.dma_semaphore, #tpu.memory_space<semaphore_mem>>) src(%dma_wait3A_191 : memref<8192xf32, #tpu.memory_space<hbm>>) dst(%arg6 : memref<8192xf32, #tpu.memory_space<vmem>>)
      tpu.yield
    }) : () -> ()
    %mul3A_5 = arith.constant 256 : i32
    %mul3A_6 = arith.muli %add3A, %mul3A_5 : i32
    "tpu.region"() ({
      %run_scoped3A = tpu.sem_alloc : memref<!tpu.dma_semaphore, #tpu.memory_space<semaphore_mem>>
      %dma_start3A_189 = arith.constant 0 : i32
      %dma_start3A_190 = tpu.memref_slice %arg3[%mul3A_6, %dma_start3A_189] : memref<8192x100xi32, #tpu.memory_space<hbm>> -> memref<256x100xi32, #tpu.memory_space<hbm>>
      %dma_start3A_191 = arith.constant 0 : i32
      %dma_start3A_192 = tpu.memref_slice %arg3[%mul3A_6, %dma_start3A_191] : memref<8192x100xi32, #tpu.memory_space<hbm>> -> memref<256x100xi32, #tpu.memory_space<hbm>>
      tpu.enqueue_dma source(%dma_start3A_192 : memref<256x100xi32, #tpu.memory_space<hbm>>) target(%arg7 : memref<256x100xi32, #tpu.memory_space<vmem>>) target_semaphore(%run_scoped3A : memref<!tpu.dma_semaphore, #tpu.memory_space<semaphore_mem>>)
      %dma_wait3A = arith.constant 0 : i32
      %dma_wait3A_193 = tpu.memref_slice %arg3[%mul3A_6, %dma_wait3A] : memref<8192x100xi32, #tpu.memory_space<hbm>> -> memref<256x100xi32, #tpu.memory_space<hbm>>
      %dma_wait3A_194 = arith.constant 0 : i32
      %dma_wait3A_195 = tpu.memref_slice %arg3[%mul3A_6, %dma_wait3A_194] : memref<8192x100xi32, #tpu.memory_space<hbm>> -> memref<256x100xi32, #tpu.memory_space<hbm>>
      tpu.wait_dma2 semaphore(%run_scoped3A : memref<!tpu.dma_semaphore, #tpu.memory_space<semaphore_mem>>) src(%dma_wait3A_195 : memref<256x100xi32, #tpu.memory_space<hbm>>) dst(%arg7 : memref<256x100xi32, #tpu.memory_space<vmem>>)
      tpu.yield
    }) : () -> ()
    %iota3A = tpu.iota {dimensions = array<i32: 0>} : vector<16xi32>
    %iota3A_7 = tpu.iota {dimensions = array<i32: 0>} : vector<16xi32>
    %add3A_8 = arith.constant 0 : i32
    %add3A_9 = vector.broadcast %add3A_8 : i32 to vector<16xi32>
    %add3A_10 = arith.addi %add3A_9, %iota3A_7 : vector<16xi32>
    %ge3A = arith.constant 100 : i32
    %ge3A_11 = vector.broadcast %ge3A : i32 to vector<16xi32>
    %ge3A_12 = arith.cmpi sge, %add3A_10, %ge3A_11 : vector<16xi32>
    %convert_element_type3A = arith.extui %ge3A_12 : vector<16xi1> to vector<16xi32>
    %mul3A_13 = arith.constant 4 : i32
    %mul3A_14 = vector.broadcast %mul3A_13 : i32 to vector<16xi32>
    %mul3A_15 = arith.muli %mul3A_14, %convert_element_type3A : vector<16xi32>
    %add3A_16 = arith.addi %add3A_10, %mul3A_15 : vector<16xi32>
    %iota3A_17 = tpu.iota {dimensions = array<i32: 0>} : vector<16xi32>
    %add3A_18 = arith.constant 16 : i32
    %add3A_19 = vector.broadcast %add3A_18 : i32 to vector<16xi32>
    %add3A_20 = arith.addi %add3A_19, %iota3A_17 : vector<16xi32>
    %ge3A_21 = arith.constant 100 : i32
    %ge3A_22 = vector.broadcast %ge3A_21 : i32 to vector<16xi32>
    %ge3A_23 = arith.cmpi sge, %add3A_20, %ge3A_22 : vector<16xi32>
    %convert_element_type3A_24 = arith.extui %ge3A_23 : vector<16xi1> to vector<16xi32>
    %mul3A_25 = arith.constant 4 : i32
    %mul3A_26 = vector.broadcast %mul3A_25 : i32 to vector<16xi32>
    %mul3A_27 = arith.muli %mul3A_26, %convert_element_type3A_24 : vector<16xi32>
    %add3A_28 = arith.addi %add3A_20, %mul3A_27 : vector<16xi32>
    %iota3A_29 = tpu.iota {dimensions = array<i32: 0>} : vector<16xi32>
    %add3A_30 = arith.constant 32 : i32
    %add3A_31 = vector.broadcast %add3A_30 : i32 to vector<16xi32>
    %add3A_32 = arith.addi %add3A_31, %iota3A_29 : vector<16xi32>
    %ge3A_33 = arith.constant 100 : i32
    %ge3A_34 = vector.broadcast %ge3A_33 : i32 to vector<16xi32>
    %ge3A_35 = arith.cmpi sge, %add3A_32, %ge3A_34 : vector<16xi32>
    %convert_element_type3A_36 = arith.extui %ge3A_35 : vector<16xi1> to vector<16xi32>
    %mul3A_37 = arith.constant 4 : i32
    %mul3A_38 = vector.broadcast %mul3A_37 : i32 to vector<16xi32>
    %mul3A_39 = arith.muli %mul3A_38, %convert_element_type3A_36 : vector<16xi32>
    %add3A_40 = arith.addi %add3A_32, %mul3A_39 : vector<16xi32>
    %iota3A_41 = tpu.iota {dimensions = array<i32: 0>} : vector<16xi32>
    %add3A_42 = arith.constant 48 : i32
    %add3A_43 = vector.broadcast %add3A_42 : i32 to vector<16xi32>
    %add3A_44 = arith.addi %add3A_43, %iota3A_41 : vector<16xi32>
    %ge3A_45 = arith.constant 100 : i32
    %ge3A_46 = vector.broadcast %ge3A_45 : i32 to vector<16xi32>
    %ge3A_47 = arith.cmpi sge, %add3A_44, %ge3A_46 : vector<16xi32>
    %convert_element_type3A_48 = arith.extui %ge3A_47 : vector<16xi1> to vector<16xi32>
    %mul3A_49 = arith.constant 4 : i32
    %mul3A_50 = vector.broadcast %mul3A_49 : i32 to vector<16xi32>
    %mul3A_51 = arith.muli %mul3A_50, %convert_element_type3A_48 : vector<16xi32>
    %add3A_52 = arith.addi %add3A_44, %mul3A_51 : vector<16xi32>
    %iota3A_53 = tpu.iota {dimensions = array<i32: 0>} : vector<16xi32>
    %add3A_54 = arith.constant 64 : i32
    %add3A_55 = vector.broadcast %add3A_54 : i32 to vector<16xi32>
    %add3A_56 = arith.addi %add3A_55, %iota3A_53 : vector<16xi32>
    %ge3A_57 = arith.constant 100 : i32
    %ge3A_58 = vector.broadcast %ge3A_57 : i32 to vector<16xi32>
    %ge3A_59 = arith.cmpi sge, %add3A_56, %ge3A_58 : vector<16xi32>
    %convert_element_type3A_60 = arith.extui %ge3A_59 : vector<16xi1> to vector<16xi32>
    %mul3A_61 = arith.constant 4 : i32
    %mul3A_62 = vector.broadcast %mul3A_61 : i32 to vector<16xi32>
    %mul3A_63 = arith.muli %mul3A_62, %convert_element_type3A_60 : vector<16xi32>
    %add3A_64 = arith.addi %add3A_56, %mul3A_63 : vector<16xi32>
    %iota3A_65 = tpu.iota {dimensions = array<i32: 0>} : vector<16xi32>
    %add3A_66 = arith.constant 80 : i32
    %add3A_67 = vector.broadcast %add3A_66 : i32 to vector<16xi32>
    %add3A_68 = arith.addi %add3A_67, %iota3A_65 : vector<16xi32>
    %ge3A_69 = arith.constant 100 : i32
    %ge3A_70 = vector.broadcast %ge3A_69 : i32 to vector<16xi32>
    %ge3A_71 = arith.cmpi sge, %add3A_68, %ge3A_70 : vector<16xi32>
    %convert_element_type3A_72 = arith.extui %ge3A_71 : vector<16xi1> to vector<16xi32>
    %mul3A_73 = arith.constant 4 : i32
    %mul3A_74 = vector.broadcast %mul3A_73 : i32 to vector<16xi32>
    %mul3A_75 = arith.muli %mul3A_74, %convert_element_type3A_72 : vector<16xi32>
    %add3A_76 = arith.addi %add3A_68, %mul3A_75 : vector<16xi32>
    %iota3A_77 = tpu.iota {dimensions = array<i32: 0>} : vector<16xi32>
    %add3A_78 = arith.constant 96 : i32
    %add3A_79 = vector.broadcast %add3A_78 : i32 to vector<16xi32>
    %add3A_80 = arith.addi %add3A_79, %iota3A_77 : vector<16xi32>
    %ge3A_81 = arith.constant 100 : i32
    %ge3A_82 = vector.broadcast %ge3A_81 : i32 to vector<16xi32>
    %ge3A_83 = arith.cmpi sge, %add3A_80, %ge3A_82 : vector<16xi32>
    %convert_element_type3A_84 = arith.extui %ge3A_83 : vector<16xi1> to vector<16xi32>
    %mul3A_85 = arith.constant 4 : i32
    %mul3A_86 = vector.broadcast %mul3A_85 : i32 to vector<16xi32>
    %mul3A_87 = arith.muli %mul3A_86, %convert_element_type3A_84 : vector<16xi32>
    %add3A_88 = arith.addi %add3A_80, %mul3A_87 : vector<16xi32>
    %iota3A_89 = tpu.iota {dimensions = array<i32: 0>} : vector<16xi32>
    %add3A_90 = arith.constant 112 : i32
    %add3A_91 = vector.broadcast %add3A_90 : i32 to vector<16xi32>
    %add3A_92 = arith.addi %add3A_91, %iota3A_89 : vector<16xi32>
    %ge3A_93 = arith.constant 100 : i32
    %ge3A_94 = vector.broadcast %ge3A_93 : i32 to vector<16xi32>
    %ge3A_95 = arith.cmpi sge, %add3A_92, %ge3A_94 : vector<16xi32>
    %convert_element_type3A_96 = arith.extui %ge3A_95 : vector<16xi1> to vector<16xi32>
    %mul3A_97 = arith.constant 4 : i32
    %mul3A_98 = vector.broadcast %mul3A_97 : i32 to vector<16xi32>
    %mul3A_99 = arith.muli %mul3A_98, %convert_element_type3A_96 : vector<16xi32>
    %add3A_100 = arith.addi %add3A_92, %mul3A_99 : vector<16xi32>
    %iota3A_101 = tpu.iota {dimensions = array<i32: 0>} : vector<16xi32>
    %add3A_102 = arith.constant 128 : i32
    %add3A_103 = vector.broadcast %add3A_102 : i32 to vector<16xi32>
    %add3A_104 = arith.addi %add3A_103, %iota3A_101 : vector<16xi32>
    %ge3A_105 = arith.constant 100 : i32
    %ge3A_106 = vector.broadcast %ge3A_105 : i32 to vector<16xi32>
    %ge3A_107 = arith.cmpi sge, %add3A_104, %ge3A_106 : vector<16xi32>
    %convert_element_type3A_108 = arith.extui %ge3A_107 : vector<16xi1> to vector<16xi32>
    %mul3A_109 = arith.constant 4 : i32
    %mul3A_110 = vector.broadcast %mul3A_109 : i32 to vector<16xi32>
    %mul3A_111 = arith.muli %mul3A_110, %convert_element_type3A_108 : vector<16xi32>
    %add3A_112 = arith.addi %add3A_104, %mul3A_111 : vector<16xi32>
    %iota3A_113 = tpu.iota {dimensions = array<i32: 0>} : vector<16xi32>
    %add3A_114 = arith.constant 144 : i32
    %add3A_115 = vector.broadcast %add3A_114 : i32 to vector<16xi32>
    %add3A_116 = arith.addi %add3A_115, %iota3A_113 : vector<16xi32>
    %ge3A_117 = arith.constant 100 : i32
    %ge3A_118 = vector.broadcast %ge3A_117 : i32 to vector<16xi32>
    %ge3A_119 = arith.cmpi sge, %add3A_116, %ge3A_118 : vector<16xi32>
    %convert_element_type3A_120 = arith.extui %ge3A_119 : vector<16xi1> to vector<16xi32>
    %mul3A_121 = arith.constant 4 : i32
    %mul3A_122 = vector.broadcast %mul3A_121 : i32 to vector<16xi32>
    %mul3A_123 = arith.muli %mul3A_122, %convert_element_type3A_120 : vector<16xi32>
    %add3A_124 = arith.addi %add3A_116, %mul3A_123 : vector<16xi32>
    %iota3A_125 = tpu.iota {dimensions = array<i32: 0>} : vector<16xi32>
    %add3A_126 = arith.constant 160 : i32
    %add3A_127 = vector.broadcast %add3A_126 : i32 to vector<16xi32>
    %add3A_128 = arith.addi %add3A_127, %iota3A_125 : vector<16xi32>
    %ge3A_129 = arith.constant 100 : i32
    %ge3A_130 = vector.broadcast %ge3A_129 : i32 to vector<16xi32>
    %ge3A_131 = arith.cmpi sge, %add3A_128, %ge3A_130 : vector<16xi32>
    %convert_element_type3A_132 = arith.extui %ge3A_131 : vector<16xi1> to vector<16xi32>
    %mul3A_133 = arith.constant 4 : i32
    %mul3A_134 = vector.broadcast %mul3A_133 : i32 to vector<16xi32>
    %mul3A_135 = arith.muli %mul3A_134, %convert_element_type3A_132 : vector<16xi32>
    %add3A_136 = arith.addi %add3A_128, %mul3A_135 : vector<16xi32>
    %iota3A_137 = tpu.iota {dimensions = array<i32: 0>} : vector<16xi32>
    %add3A_138 = arith.constant 176 : i32
    %add3A_139 = vector.broadcast %add3A_138 : i32 to vector<16xi32>
    %add3A_140 = arith.addi %add3A_139, %iota3A_137 : vector<16xi32>
    %ge3A_141 = arith.constant 100 : i32
    %ge3A_142 = vector.broadcast %ge3A_141 : i32 to vector<16xi32>
    %ge3A_143 = arith.cmpi sge, %add3A_140, %ge3A_142 : vector<16xi32>
    %convert_element_type3A_144 = arith.extui %ge3A_143 : vector<16xi1> to vector<16xi32>
    %mul3A_145 = arith.constant 4 : i32
    %mul3A_146 = vector.broadcast %mul3A_145 : i32 to vector<16xi32>
    %mul3A_147 = arith.muli %mul3A_146, %convert_element_type3A_144 : vector<16xi32>
    %add3A_148 = arith.addi %add3A_140, %mul3A_147 : vector<16xi32>
    %iota3A_149 = tpu.iota {dimensions = array<i32: 0>} : vector<16xi32>
    %add3A_150 = arith.constant 192 : i32
    %add3A_151 = vector.broadcast %add3A_150 : i32 to vector<16xi32>
    %add3A_152 = arith.addi %add3A_151, %iota3A_149 : vector<16xi32>
    %ge3A_153 = arith.constant 100 : i32
    %ge3A_154 = vector.broadcast %ge3A_153 : i32 to vector<16xi32>
    %ge3A_155 = arith.cmpi sge, %add3A_152, %ge3A_154 : vector<16xi32>
    %convert_element_type3A_156 = arith.extui %ge3A_155 : vector<16xi1> to vector<16xi32>
    %mul3A_157 = arith.constant 4 : i32
    %mul3A_158 = vector.broadcast %mul3A_157 : i32 to vector<16xi32>
    %mul3A_159 = arith.muli %mul3A_158, %convert_element_type3A_156 : vector<16xi32>
    %add3A_160 = arith.addi %add3A_152, %mul3A_159 : vector<16xi32>
    %dma_start3A = arith.constant 0 : i32
    %dma_start3A_161 = arith.constant 0 : i32
    %dma_start3A_162 = arith.constant 0 : i32
    %dma_start3A_163 = tpu.memref_slice %arg8[%dma_start3A_161, %dma_start3A_162] : memref<216x128xf32, #tpu.memory_space<vmem>> -> memref<100x128xf32, #tpu.memory_space<vmem>>
    %dma_start3A_164 = arith.constant 0 : i32
    %dma_start3A_165 = tpu.memref_slice %arg7[%dma_start3A, %dma_start3A_164] : memref<256x100xi32, #tpu.memory_space<vmem>> -> memref<1x100xi32, #tpu.memory_space<vmem>>
    %dma_start3A_166 = tpu.memref_squeeze %dma_start3A_165 : memref<1x100xi32, #tpu.memory_space<vmem>> -> memref<100xi32, #tpu.memory_space<vmem>>
    %dma_start3A_167 = arith.constant 0 : i32
    %dma_start3A_168 = arith.constant 0 : i32
    %dma_start3A_169 = tpu.memref_slice %arg4[%dma_start3A_167, %dma_start3A_168] : memref<1000000x128xf32, #tpu.memory_space<hbm>> -> memref<1000000x128xf32, #tpu.memory_space<hbm>>
    tpu.enqueue_indirect_dma source(%dma_start3A_169 : memref<1000000x128xf32, #tpu.memory_space<hbm>>) target(%dma_start3A_163 : memref<100x128xf32, #tpu.memory_space<vmem>>) offsets(%dma_start3A_166 : memref<100xi32, #tpu.memory_space<vmem>>) semaphore(%arg11 : memref<!tpu.dma_semaphore, #tpu.memory_space<semaphore_mem>>)
    %dma_start3A_170 = arith.constant 1 : i32
    %dma_start3A_171 = arith.constant 104 : i32
    %dma_start3A_172 = arith.constant 0 : i32
    %dma_start3A_173 = tpu.memref_slice %arg8[%dma_start3A_171, %dma_start3A_172] : memref<216x128xf32, #tpu.memory_space<vmem>> -> memref<100x128xf32, #tpu.memory_space<vmem>>
    %dma_start3A_174 = arith.constant 0 : i32
    %dma_start3A_175 = tpu.memref_slice %arg7[%dma_start3A_170, %dma_start3A_174] : memref<256x100xi32, #tpu.memory_space<vmem>> -> memref<1x100xi32, #tpu.memory_space<vmem>>
    %dma_start3A_176 = tpu.memref_squeeze %dma_start3A_175 : memref<1x100xi32, #tpu.memory_space<vmem>> -> memref<100xi32, #tpu.memory_space<vmem>>
    %dma_start3A_177 = arith.constant 0 : i32
    %dma_start3A_178 = arith.constant 0 : i32
    %dma_start3A_179 = tpu.memref_slice %arg4[%dma_start3A_177, %dma_start3A_178] : memref<1000000x128xf32, #tpu.memory_space<hbm>> -> memref<1000000x128xf32, #tpu.memory_space<hbm>>
    tpu.enqueue_indirect_dma source(%dma_start3A_179 : memref<1000000x128xf32, #tpu.memory_space<hbm>>) target(%dma_start3A_173 : memref<100x128xf32, #tpu.memory_space<vmem>>) offsets(%dma_start3A_176 : memref<100xi32, #tpu.memory_space<vmem>>) semaphore(%arg11 : memref<!tpu.dma_semaphore, #tpu.memory_space<semaphore_mem>>)
    %scan3A = arith.constant 0 : i32
    %scan3A_180 = arith.constant 0 : i32
    %scan3A_181 = arith.constant 64 : i32
    %scan3A_182 = arith.addi %scan3A_180, %scan3A_181 : i32
    %scan3A_183 = arith.constant 1 : i32
    scf.for %scan3A_189 = %scan3A_180 to %scan3A_182 step %scan3A_183  : i32 {
      %mul3A_190 = arith.constant 2 : i32
      %mul3A_191 = arith.muli %mul3A_190, %scan3A_189 : i32
      %add3A_192 = arith.constant 1 : i32
      %add3A_193 = arith.addi %mul3A_191, %add3A_192 : i32
      %mul3A_194 = arith.constant 2 : i32
      %mul3A_195 = arith.muli %mul3A_194, %add3A_193 : i32
      %add3A_196 = arith.constant 0 : i32
      %add3A_197 = arith.addi %mul3A_195, %add3A_196 : i32
      %mul3A_198 = arith.constant 2 : i32
      %mul3A_199 = arith.muli %mul3A_198, %add3A_193 : i32
      %add3A_200 = arith.constant 1 : i32
      %add3A_201 = arith.addi %mul3A_199, %add3A_200 : i32
      %dma_start3A_202 = arith.constant 0 : i32
      %dma_start3A_203 = arith.constant 0 : i32
      %dma_start3A_204 = tpu.memref_slice %arg9[%dma_start3A_202, %dma_start3A_203] : memref<216x128xf32, #tpu.memory_space<vmem>> -> memref<100x128xf32, #tpu.memory_space<vmem>>
      %dma_start3A_205 = arith.constant 0 : i32
      %dma_start3A_206 = tpu.memref_slice %arg7[%add3A_197, %dma_start3A_205] : memref<256x100xi32, #tpu.memory_space<vmem>> -> memref<1x100xi32, #tpu.memory_space<vmem>>
      %dma_start3A_207 = tpu.memref_squeeze %dma_start3A_206 : memref<1x100xi32, #tpu.memory_space<vmem>> -> memref<100xi32, #tpu.memory_space<vmem>>
      %dma_start3A_208 = arith.constant 0 : i32
      %dma_start3A_209 = arith.constant 0 : i32
      %dma_start3A_210 = tpu.memref_slice %arg4[%dma_start3A_208, %dma_start3A_209] : memref<1000000x128xf32, #tpu.memory_space<hbm>> -> memref<1000000x128xf32, #tpu.memory_space<hbm>>
      tpu.enqueue_indirect_dma source(%dma_start3A_210 : memref<1000000x128xf32, #tpu.memory_space<hbm>>) target(%dma_start3A_204 : memref<100x128xf32, #tpu.memory_space<vmem>>) offsets(%dma_start3A_207 : memref<100xi32, #tpu.memory_space<vmem>>) semaphore(%arg12 : memref<!tpu.dma_semaphore, #tpu.memory_space<semaphore_mem>>)
      %dma_start3A_211 = arith.constant 104 : i32
      %dma_start3A_212 = arith.constant 0 : i32
      %dma_start3A_213 = tpu.memref_slice %arg9[%dma_start3A_211, %dma_start3A_212] : memref<216x128xf32, #tpu.memory_space<vmem>> -> memref<100x128xf32, #tpu.memory_space<vmem>>
      %dma_start3A_214 = arith.constant 0 : i32
      %dma_start3A_215 = tpu.memref_slice %arg7[%add3A_201, %dma_start3A_214] : memref<256x100xi32, #tpu.memory_space<vmem>> -> memref<1x100xi32, #tpu.memory_space<vmem>>
      %dma_start3A_216 = tpu.memref_squeeze %dma_start3A_215 : memref<1x100xi32, #tpu.memory_space<vmem>> -> memref<100xi32, #tpu.memory_space<vmem>>
      %dma_start3A_217 = arith.constant 0 : i32
      %dma_start3A_218 = arith.constant 0 : i32
      %dma_start3A_219 = tpu.memref_slice %arg4[%dma_start3A_217, %dma_start3A_218] : memref<1000000x128xf32, #tpu.memory_space<hbm>> -> memref<1000000x128xf32, #tpu.memory_space<hbm>>
      tpu.enqueue_indirect_dma source(%dma_start3A_219 : memref<1000000x128xf32, #tpu.memory_space<hbm>>) target(%dma_start3A_213 : memref<100x128xf32, #tpu.memory_space<vmem>>) offsets(%dma_start3A_216 : memref<100xi32, #tpu.memory_space<vmem>>) semaphore(%arg12 : memref<!tpu.dma_semaphore, #tpu.memory_space<semaphore_mem>>)
      %mul3A_220 = arith.constant 2 : i32
      %mul3A_221 = arith.muli %mul3A_220, %mul3A_191 : i32
      %add3A_222 = arith.constant 0 : i32
      %add3A_223 = arith.addi %mul3A_221, %add3A_222 : i32
      %mul3A_224 = arith.constant 2 : i32
      %mul3A_225 = arith.muli %mul3A_224, %mul3A_191 : i32
      %add3A_226 = arith.constant 1 : i32
      %add3A_227 = arith.addi %mul3A_225, %add3A_226 : i32
      %dma_wait3A = arith.constant 0 : i32
      %dma_wait3A_228 = arith.constant 0 : i32
      %dma_wait3A_229 = tpu.memref_slice %arg8[%dma_wait3A, %dma_wait3A_228] : memref<216x128xf32, #tpu.memory_space<vmem>> -> memref<100x128xf32, #tpu.memory_space<vmem>>
      %dma_wait3A_230 = arith.constant 0 : i32
      %dma_wait3A_231 = tpu.memref_slice %arg7[%add3A_223, %dma_wait3A_230] : memref<256x100xi32, #tpu.memory_space<vmem>> -> memref<1x100xi32, #tpu.memory_space<vmem>>
      %dma_wait3A_232 = tpu.memref_squeeze %dma_wait3A_231 : memref<1x100xi32, #tpu.memory_space<vmem>> -> memref<100xi32, #tpu.memory_space<vmem>>
      %dma_wait3A_233 = arith.constant 0 : i32
      %dma_wait3A_234 = arith.constant 0 : i32
      %dma_wait3A_235 = tpu.memref_slice %arg4[%dma_wait3A_233, %dma_wait3A_234] : memref<1000000x128xf32, #tpu.memory_space<hbm>> -> memref<1000000x128xf32, #tpu.memory_space<hbm>>
      tpu.wait_indirect_dma semaphore(%arg11 : memref<!tpu.dma_semaphore, #tpu.memory_space<semaphore_mem>>) src(%dma_wait3A_235 : memref<1000000x128xf32, #tpu.memory_space<hbm>>) dst(%dma_wait3A_229 : memref<100x128xf32, #tpu.memory_space<vmem>>)
      %dma_wait3A_236 = arith.constant 104 : i32
      %dma_wait3A_237 = arith.constant 0 : i32
      %dma_wait3A_238 = tpu.memref_slice %arg8[%dma_wait3A_236, %dma_wait3A_237] : memref<216x128xf32, #tpu.memory_space<vmem>> -> memref<100x128xf32, #tpu.memory_space<vmem>>
      %dma_wait3A_239 = arith.constant 0 : i32
      %dma_wait3A_240 = tpu.memref_slice %arg7[%add3A_227, %dma_wait3A_239] : memref<256x100xi32, #tpu.memory_space<vmem>> -> memref<1x100xi32, #tpu.memory_space<vmem>>
      %dma_wait3A_241 = tpu.memref_squeeze %dma_wait3A_240 : memref<1x100xi32, #tpu.memory_space<vmem>> -> memref<100xi32, #tpu.memory_space<vmem>>
      %dma_wait3A_242 = arith.constant 0 : i32
      %dma_wait3A_243 = arith.constant 0 : i32
      %dma_wait3A_244 = tpu.memref_slice %arg4[%dma_wait3A_242, %dma_wait3A_243] : memref<1000000x128xf32, #tpu.memory_space<hbm>> -> memref<1000000x128xf32, #tpu.memory_space<hbm>>
      tpu.wait_indirect_dma semaphore(%arg11 : memref<!tpu.dma_semaphore, #tpu.memory_space<semaphore_mem>>) src(%dma_wait3A_244 : memref<1000000x128xf32, #tpu.memory_space<hbm>>) dst(%dma_wait3A_238 : memref<100x128xf32, #tpu.memory_space<vmem>>)
      %mul3A_245 = arith.constant 64 : i32
      %mul3A_246 = arith.muli %mul3A_191, %mul3A_245 : i32
      %broadcast_in_dim3A = arith.constant 0.000000e+00 : f32
      %broadcast_in_dim3A_247 = vector.broadcast %broadcast_in_dim3A : f32 to vector<16xf32>
      %scan3A_248 = arith.constant 0 : i32
      %scan3A_249 = arith.constant 16 : i32
      %scan3A_250 = arith.addi %scan3A_248, %scan3A_249 : i32
      %scan3A_251 = arith.constant 1 : i32
      %scan3A_252:13 = scf.for %scan3A_404 = %scan3A_248 to %scan3A_250 step %scan3A_251 iter_args(%scan3A_405 = %broadcast_in_dim3A_247, %scan3A_406 = %broadcast_in_dim3A_247, %scan3A_407 = %broadcast_in_dim3A_247, %scan3A_408 = %broadcast_in_dim3A_247, %scan3A_409 = %broadcast_in_dim3A_247, %scan3A_410 = %broadcast_in_dim3A_247, %scan3A_411 = %broadcast_in_dim3A_247, %scan3A_412 = %broadcast_in_dim3A_247, %scan3A_413 = %broadcast_in_dim3A_247, %scan3A_414 = %broadcast_in_dim3A_247, %scan3A_415 = %broadcast_in_dim3A_247, %scan3A_416 = %broadcast_in_dim3A_247, %scan3A_417 = %broadcast_in_dim3A_247) -> (vector<16xf32>, vector<16xf32>, vector<16xf32>, vector<16xf32>, vector<16xf32>, vector<16xf32>, vector<16xf32>, vector<16xf32>, vector<16xf32>, vector<16xf32>, vector<16xf32>, vector<16xf32>, vector<16xf32>)  : i32 {
        %mul3A_418 = arith.constant 4 : i32
        %mul3A_419 = arith.muli %scan3A_404, %mul3A_418 : i32
        %add3A_420 = arith.constant 0 : i32
        %add3A_421 = arith.addi %mul3A_419, %add3A_420 : i32
        %add3A_422 = vector.broadcast %add3A_421 : i32 to vector<16xi32>
        %add3A_423 = arith.addi %iota3A, %add3A_422 : vector<16xi32>
        %and3A = arith.constant 63 : i32
        %and3A_424 = vector.broadcast %and3A : i32 to vector<16xi32>
        %and3A_425 = arith.andi %add3A_423, %and3A_424 : vector<16xi32>
        %add3A_426 = vector.broadcast %mul3A_246 : i32 to vector<16xi32>
        %add3A_427 = arith.addi %add3A_426, %and3A_425 : vector<16xi32>
        %gather3A = tpu.vector_load_idx %arg6[%add3A_427] : memref<8192xf32, #tpu.memory_space<vmem>>[vector<16xi32>], vector<16xf32>,
        %gather3A_428 = tpu.vector_load_idx %arg8[%add3A_16, %and3A_425] : memref<216x128xf32, #tpu.memory_space<vmem>>[vector<16xi32>, vector<16xi32>], vector<16xf32>,
        %mul3A_429 = arith.mulf %gather3A, %gather3A_428 : vector<16xf32>
        %add3A_430 = arith.addf %scan3A_405, %mul3A_429 : vector<16xf32>
        %gather3A_431 = tpu.vector_load_idx %arg8[%add3A_28, %and3A_425] : memref<216x128xf32, #tpu.memory_space<vmem>>[vector<16xi32>, vector<16xi32>], vector<16xf32>,
        %mul3A_432 = arith.mulf %gather3A, %gather3A_431 : vector<16xf32>
        %add3A_433 = arith.addf %scan3A_406, %mul3A_432 : vector<16xf32>
        %gather3A_434 = tpu.vector_load_idx %arg8[%add3A_40, %and3A_425] : memref<216x128xf32, #tpu.memory_space<vmem>>[vector<16xi32>, vector<16xi32>], vector<16xf32>,
        %mul3A_435 = arith.mulf %gather3A, %gather3A_434 : vector<16xf32>
        %add3A_436 = arith.addf %scan3A_407, %mul3A_435 : vector<16xf32>
        %gather3A_437 = tpu.vector_load_idx %arg8[%add3A_52, %and3A_425] : memref<216x128xf32, #tpu.memory_space<vmem>>[vector<16xi32>, vector<16xi32>], vector<16xf32>,
        %mul3A_438 = arith.mulf %gather3A, %gather3A_437 : vector<16xf32>
        %add3A_439 = arith.addf %scan3A_408, %mul3A_438 : vector<16xf32>
        %gather3A_440 = tpu.vector_load_idx %arg8[%add3A_64, %and3A_425] : memref<216x128xf32, #tpu.memory_space<vmem>>[vector<16xi32>, vector<16xi32>], vector<16xf32>,
        %mul3A_441 = arith.mulf %gather3A, %gather3A_440 : vector<16xf32>
        %add3A_442 = arith.addf %scan3A_409, %mul3A_441 : vector<16xf32>
        %gather3A_443 = tpu.vector_load_idx %arg8[%add3A_76, %and3A_425] : memref<216x128xf32, #tpu.memory_space<vmem>>[vector<16xi32>, vector<16xi32>], vector<16xf32>,
        %mul3A_444 = arith.mulf %gather3A, %gather3A_443 : vector<16xf32>
        %add3A_445 = arith.addf %scan3A_410, %mul3A_444 : vector<16xf32>
        %gather3A_446 = tpu.vector_load_idx %arg8[%add3A_88, %and3A_425] : memref<216x128xf32, #tpu.memory_space<vmem>>[vector<16xi32>, vector<16xi32>], vector<16xf32>,
        %mul3A_447 = arith.mulf %gather3A, %gather3A_446 : vector<16xf32>
        %add3A_448 = arith.addf %scan3A_411, %mul3A_447 : vector<16xf32>
        %gather3A_449 = tpu.vector_load_idx %arg8[%add3A_100, %and3A_425] : memref<216x128xf32, #tpu.memory_space<vmem>>[vector<16xi32>, vector<16xi32>], vector<16xf32>,
        %mul3A_450 = arith.mulf %gather3A, %gather3A_449 : vector<16xf32>
        %add3A_451 = arith.addf %scan3A_412, %mul3A_450 : vector<16xf32>
        %gather3A_452 = tpu.vector_load_idx %arg8[%add3A_112, %and3A_425] : memref<216x128xf32, #tpu.memory_space<vmem>>[vector<16xi32>, vector<16xi32>], vector<16xf32>,
        %mul3A_453 = arith.mulf %gather3A, %gather3A_452 : vector<16xf32>
        %add3A_454 = arith.addf %scan3A_413, %mul3A_453 : vector<16xf32>
        %gather3A_455 = tpu.vector_load_idx %arg8[%add3A_124, %and3A_425] : memref<216x128xf32, #tpu.memory_space<vmem>>[vector<16xi32>, vector<16xi32>], vector<16xf32>,
        %mul3A_456 = arith.mulf %gather3A, %gather3A_455 : vector<16xf32>
        %add3A_457 = arith.addf %scan3A_414, %mul3A_456 : vector<16xf32>
        %gather3A_458 = tpu.vector_load_idx %arg8[%add3A_136, %and3A_425] : memref<216x128xf32, #tpu.memory_space<vmem>>[vector<16xi32>, vector<16xi32>], vector<16xf32>,
        %mul3A_459 = arith.mulf %gather3A, %gather3A_458 : vector<16xf32>
        %add3A_460 = arith.addf %scan3A_415, %mul3A_459 : vector<16xf32>
        %gather3A_461 = tpu.vector_load_idx %arg8[%add3A_148, %and3A_425] : memref<216x128xf32, #tpu.memory_space<vmem>>[vector<16xi32>, vector<16xi32>], vector<16xf32>,
        %mul3A_462 = arith.mulf %gather3A, %gather3A_461 : vector<16xf32>
        %add3A_463 = arith.addf %scan3A_416, %mul3A_462 : vector<16xf32>
        %gather3A_464 = tpu.vector_load_idx %arg8[%add3A_160, %and3A_425] : memref<216x128xf32, #tpu.memory_space<vmem>>[vector<16xi32>, vector<16xi32>], vector<16xf32>,
        %mul3A_465 = arith.mulf %gather3A, %gather3A_464 : vector<16xf32>
        %add3A_466 = arith.addf %scan3A_417, %mul3A_465 : vector<16xf32>
        %mul3A_467 = arith.constant 4 : i32
        %mul3A_468 = arith.muli %scan3A_404, %mul3A_467 : i32
        %add3A_469 = arith.constant 1 : i32
        %add3A_470 = arith.addi %mul3A_468, %add3A_469 : i32
        %add3A_471 = vector.broadcast %add3A_470 : i32 to vector<16xi32>
        %add3A_472 = arith.addi %iota3A, %add3A_471 : vector<16xi32>
        %and3A_473 = arith.constant 63 : i32
        %and3A_474 = vector.broadcast %and3A_473 : i32 to vector<16xi32>
        %and3A_475 = arith.andi %add3A_472, %and3A_474 : vector<16xi32>
        %add3A_476 = vector.broadcast %mul3A_246 : i32 to vector<16xi32>
        %add3A_477 = arith.addi %add3A_476, %and3A_475 : vector<16xi32>
        %gather3A_478 = tpu.vector_load_idx %arg6[%add3A_477] : memref<8192xf32, #tpu.memory_space<vmem>>[vector<16xi32>], vector<16xf32>,
        %gather3A_479 = tpu.vector_load_idx %arg8[%add3A_16, %and3A_475] : memref<216x128xf32, #tpu.memory_space<vmem>>[vector<16xi32>, vector<16xi32>], vector<16xf32>,
        %mul3A_480 = arith.mulf %gather3A_478, %gather3A_479 : vector<16xf32>
        %add3A_481 = arith.addf %add3A_430, %mul3A_480 : vector<16xf32>
        %gather3A_482 = tpu.vector_load_idx %arg8[%add3A_28, %and3A_475] : memref<216x128xf32, #tpu.memory_space<vmem>>[vector<16xi32>, vector<16xi32>], vector<16xf32>,
        %mul3A_483 = arith.mulf %gather3A_478, %gather3A_482 : vector<16xf32>
        %add3A_484 = arith.addf %add3A_433, %mul3A_483 : vector<16xf32>
        %gather3A_485 = tpu.vector_load_idx %arg8[%add3A_40, %and3A_475] : memref<216x128xf32, #tpu.memory_space<vmem>>[vector<16xi32>, vector<16xi32>], vector<16xf32>,
        %mul3A_486 = arith.mulf %gather3A_478, %gather3A_485 : vector<16xf32>
        %add3A_487 = arith.addf %add3A_436, %mul3A_486 : vector<16xf32>
        %gather3A_488 = tpu.vector_load_idx %arg8[%add3A_52, %and3A_475] : memref<216x128xf32, #tpu.memory_space<vmem>>[vector<16xi32>, vector<16xi32>], vector<16xf32>,
        %mul3A_489 = arith.mulf %gather3A_478, %gather3A_488 : vector<16xf32>
        %add3A_490 = arith.addf %add3A_439, %mul3A_489 : vector<16xf32>
        %gather3A_491 = tpu.vector_load_idx %arg8[%add3A_64, %and3A_475] : memref<216x128xf32, #tpu.memory_space<vmem>>[vector<16xi32>, vector<16xi32>], vector<16xf32>,
        %mul3A_492 = arith.mulf %gather3A_478, %gather3A_491 : vector<16xf32>
        %add3A_493 = arith.addf %add3A_442, %mul3A_492 : vector<16xf32>
        %gather3A_494 = tpu.vector_load_idx %arg8[%add3A_76, %and3A_475] : memref<216x128xf32, #tpu.memory_space<vmem>>[vector<16xi32>, vector<16xi32>], vector<16xf32>,
        %mul3A_495 = arith.mulf %gather3A_478, %gather3A_494 : vector<16xf32>
        %add3A_496 = arith.addf %add3A_445, %mul3A_495 : vector<16xf32>
        %gather3A_497 = tpu.vector_load_idx %arg8[%add3A_88, %and3A_475] : memref<216x128xf32, #tpu.memory_space<vmem>>[vector<16xi32>, vector<16xi32>], vector<16xf32>,
        %mul3A_498 = arith.mulf %gather3A_478, %gather3A_497 : vector<16xf32>
        %add3A_499 = arith.addf %add3A_448, %mul3A_498 : vector<16xf32>
        %gather3A_500 = tpu.vector_load_idx %arg8[%add3A_100, %and3A_475] : memref<216x128xf32, #tpu.memory_space<vmem>>[vector<16xi32>, vector<16xi32>], vector<16xf32>,
        %mul3A_501 = arith.mulf %gather3A_478, %gather3A_500 : vector<16xf32>
        %add3A_502 = arith.addf %add3A_451, %mul3A_501 : vector<16xf32>
        %gather3A_503 = tpu.vector_load_idx %arg8[%add3A_112, %and3A_475] : memref<216x128xf32, #tpu.memory_space<vmem>>[vector<16xi32>, vector<16xi32>], vector<16xf32>,
        %mul3A_504 = arith.mulf %gather3A_478, %gather3A_503 : vector<16xf32>
        %add3A_505 = arith.addf %add3A_454, %mul3A_504 : vector<16xf32>
        %gather3A_506 = tpu.vector_load_idx %arg8[%add3A_124, %and3A_475] : memref<216x128xf32, #tpu.memory_space<vmem>>[vector<16xi32>, vector<16xi32>], vector<16xf32>,
        %mul3A_507 = arith.mulf %gather3A_478, %gather3A_506 : vector<16xf32>
        %add3A_508 = arith.addf %add3A_457, %mul3A_507 : vector<16xf32>
        %gather3A_509 = tpu.vector_load_idx %arg8[%add3A_136, %and3A_475] : memref<216x128xf32, #tpu.memory_space<vmem>>[vector<16xi32>, vector<16xi32>], vector<16xf32>,
        %mul3A_510 = arith.mulf %gather3A_478, %gather3A_509 : vector<16xf32>
        %add3A_511 = arith.addf %add3A_460, %mul3A_510 : vector<16xf32>
        %gather3A_512 = tpu.vector_load_idx %arg8[%add3A_148, %and3A_475] : memref<216x128xf32, #tpu.memory_space<vmem>>[vector<16xi32>, vector<16xi32>], vector<16xf32>,
        %mul3A_513 = arith.mulf %gather3A_478, %gather3A_512 : vector<16xf32>
        %add3A_514 = arith.addf %add3A_463, %mul3A_513 : vector<16xf32>
        %gather3A_515 = tpu.vector_load_idx %arg8[%add3A_160, %and3A_475] : memref<216x128xf32, #tpu.memory_space<vmem>>[vector<16xi32>, vector<16xi32>], vector<16xf32>,
        %mul3A_516 = arith.mulf %gather3A_478, %gather3A_515 : vector<16xf32>
        %add3A_517 = arith.addf %add3A_466, %mul3A_516 : vector<16xf32>
        %mul3A_518 = arith.constant 4 : i32
        %mul3A_519 = arith.muli %scan3A_404, %mul3A_518 : i32
        %add3A_520 = arith.constant 2 : i32
        %add3A_521 = arith.addi %mul3A_519, %add3A_520 : i32
        %add3A_522 = vector.broadcast %add3A_521 : i32 to vector<16xi32>
        %add3A_523 = arith.addi %iota3A, %add3A_522 : vector<16xi32>
        %and3A_524 = arith.constant 63 : i32
        %and3A_525 = vector.broadcast %and3A_524 : i32 to vector<16xi32>
        %and3A_526 = arith.andi %add3A_523, %and3A_525 : vector<16xi32>
        %add3A_527 = vector.broadcast %mul3A_246 : i32 to vector<16xi32>
        %add3A_528 = arith.addi %add3A_527, %and3A_526 : vector<16xi32>
        %gather3A_529 = tpu.vector_load_idx %arg6[%add3A_528] : memref<8192xf32, #tpu.memory_space<vmem>>[vector<16xi32>], vector<16xf32>,
        %gather3A_530 = tpu.vector_load_idx %arg8[%add3A_16, %and3A_526] : memref<216x128xf32, #tpu.memory_space<vmem>>[vector<16xi32>, vector<16xi32>], vector<16xf32>,
        %mul3A_531 = arith.mulf %gather3A_529, %gather3A_530 : vector<16xf32>
        %add3A_532 = arith.addf %add3A_481, %mul3A_531 : vector<16xf32>
        %gather3A_533 = tpu.vector_load_idx %arg8[%add3A_28, %and3A_526] : memref<216x128xf32, #tpu.memory_space<vmem>>[vector<16xi32>, vector<16xi32>], vector<16xf32>,
        %mul3A_534 = arith.mulf %gather3A_529, %gather3A_533 : vector<16xf32>
        %add3A_535 = arith.addf %add3A_484, %mul3A_534 : vector<16xf32>
        %gather3A_536 = tpu.vector_load_idx %arg8[%add3A_40, %and3A_526] : memref<216x128xf32, #tpu.memory_space<vmem>>[vector<16xi32>, vector<16xi32>], vector<16xf32>,
        %mul3A_537 = arith.mulf %gather3A_529, %gather3A_536 : vector<16xf32>
        %add3A_538 = arith.addf %add3A_487, %mul3A_537 : vector<16xf32>
        %gather3A_539 = tpu.vector_load_idx %arg8[%add3A_52, %and3A_526] : memref<216x128xf32, #tpu.memory_space<vmem>>[vector<16xi32>, vector<16xi32>], vector<16xf32>,
        %mul3A_540 = arith.mulf %gather3A_529, %gather3A_539 : vector<16xf32>
        %add3A_541 = arith.addf %add3A_490, %mul3A_540 : vector<16xf32>
        %gather3A_542 = tpu.vector_load_idx %arg8[%add3A_64, %and3A_526] : memref<216x128xf32, #tpu.memory_space<vmem>>[vector<16xi32>, vector<16xi32>], vector<16xf32>,
        %mul3A_543 = arith.mulf %gather3A_529, %gather3A_542 : vector<16xf32>
        %add3A_544 = arith.addf %add3A_493, %mul3A_543 : vector<16xf32>
        %gather3A_545 = tpu.vector_load_idx %arg8[%add3A_76, %and3A_526] : memref<216x128xf32, #tpu.memory_space<vmem>>[vector<16xi32>, vector<16xi32>], vector<16xf32>,
        %mul3A_546 = arith.mulf %gather3A_529, %gather3A_545 : vector<16xf32>
        %add3A_547 = arith.addf %add3A_496, %mul3A_546 : vector<16xf32>
        %gather3A_548 = tpu.vector_load_idx %arg8[%add3A_88, %and3A_526] : memref<216x128xf32, #tpu.memory_space<vmem>>[vector<16xi32>, vector<16xi32>], vector<16xf32>,
        %mul3A_549 = arith.mulf %gather3A_529, %gather3A_548 : vector<16xf32>
        %add3A_550 = arith.addf %add3A_499, %mul3A_549 : vector<16xf32>
        %gather3A_551 = tpu.vector_load_idx %arg8[%add3A_100, %and3A_526] : memref<216x128xf32, #tpu.memory_space<vmem>>[vector<16xi32>, vector<16xi32>], vector<16xf32>,
        %mul3A_552 = arith.mulf %gather3A_529, %gather3A_551 : vector<16xf32>
        %add3A_553 = arith.addf %add3A_502, %mul3A_552 : vector<16xf32>
        %gather3A_554 = tpu.vector_load_idx %arg8[%add3A_112, %and3A_526] : memref<216x128xf32, #tpu.memory_space<vmem>>[vector<16xi32>, vector<16xi32>], vector<16xf32>,
        %mul3A_555 = arith.mulf %gather3A_529, %gather3A_554 : vector<16xf32>
        %add3A_556 = arith.addf %add3A_505, %mul3A_555 : vector<16xf32>
        %gather3A_557 = tpu.vector_load_idx %arg8[%add3A_124, %and3A_526] : memref<216x128xf32, #tpu.memory_space<vmem>>[vector<16xi32>, vector<16xi32>], vector<16xf32>,
        %mul3A_558 = arith.mulf %gather3A_529, %gather3A_557 : vector<16xf32>
        %add3A_559 = arith.addf %add3A_508, %mul3A_558 : vector<16xf32>
        %gather3A_560 = tpu.vector_load_idx %arg8[%add3A_136, %and3A_526] : memref<216x128xf32, #tpu.memory_space<vmem>>[vector<16xi32>, vector<16xi32>], vector<16xf32>,
        %mul3A_561 = arith.mulf %gather3A_529, %gather3A_560 : vector<16xf32>
        %add3A_562 = arith.addf %add3A_511, %mul3A_561 : vector<16xf32>
        %gather3A_563 = tpu.vector_load_idx %arg8[%add3A_148, %and3A_526] : memref<216x128xf32, #tpu.memory_space<vmem>>[vector<16xi32>, vector<16xi32>], vector<16xf32>,
        %mul3A_564 = arith.mulf %gather3A_529, %gather3A_563 : vector<16xf32>
        %add3A_565 = arith.addf %add3A_514, %mul3A_564 : vector<16xf32>
        %gather3A_566 = tpu.vector_load_idx %arg8[%add3A_160, %and3A_526] : memref<216x128xf32, #tpu.memory_space<vmem>>[vector<16xi32>, vector<16xi32>], vector<16xf32>,
        %mul3A_567 = arith.mulf %gather3A_529, %gather3A_566 : vector<16xf32>
        %add3A_568 = arith.addf %add3A_517, %mul3A_567 : vector<16xf32>
        %mul3A_569 = arith.constant 4 : i32
        %mul3A_570 = arith.muli %scan3A_404, %mul3A_569 : i32
        %add3A_571 = arith.constant 3 : i32
        %add3A_572 = arith.addi %mul3A_570, %add3A_571 : i32
        %add3A_573 = vector.broadcast %add3A_572 : i32 to vector<16xi32>
        %add3A_574 = arith.addi %iota3A, %add3A_573 : vector<16xi32>
        %and3A_575 = arith.constant 63 : i32
        %and3A_576 = vector.broadcast %and3A_575 : i32 to vector<16xi32>
        %and3A_577 = arith.andi %add3A_574, %and3A_576 : vector<16xi32>
        %add3A_578 = vector.broadcast %mul3A_246 : i32 to vector<16xi32>
        %add3A_579 = arith.addi %add3A_578, %and3A_577 : vector<16xi32>
        %gather3A_580 = tpu.vector_load_idx %arg6[%add3A_579] : memref<8192xf32, #tpu.memory_space<vmem>>[vector<16xi32>], vector<16xf32>,
        %gather3A_581 = tpu.vector_load_idx %arg8[%add3A_16, %and3A_577] : memref<216x128xf32, #tpu.memory_space<vmem>>[vector<16xi32>, vector<16xi32>], vector<16xf32>,
        %mul3A_582 = arith.mulf %gather3A_580, %gather3A_581 : vector<16xf32>
        %add3A_583 = arith.addf %add3A_532, %mul3A_582 : vector<16xf32>
        %gather3A_584 = tpu.vector_load_idx %arg8[%add3A_28, %and3A_577] : memref<216x128xf32, #tpu.memory_space<vmem>>[vector<16xi32>, vector<16xi32>], vector<16xf32>,
        %mul3A_585 = arith.mulf %gather3A_580, %gather3A_584 : vector<16xf32>
        %add3A_586 = arith.addf %add3A_535, %mul3A_585 : vector<16xf32>
        %gather3A_587 = tpu.vector_load_idx %arg8[%add3A_40, %and3A_577] : memref<216x128xf32, #tpu.memory_space<vmem>>[vector<16xi32>, vector<16xi32>], vector<16xf32>,
        %mul3A_588 = arith.mulf %gather3A_580, %gather3A_587 : vector<16xf32>
        %add3A_589 = arith.addf %add3A_538, %mul3A_588 : vector<16xf32>
        %gather3A_590 = tpu.vector_load_idx %arg8[%add3A_52, %and3A_577] : memref<216x128xf32, #tpu.memory_space<vmem>>[vector<16xi32>, vector<16xi32>], vector<16xf32>,
        %mul3A_591 = arith.mulf %gather3A_580, %gather3A_590 : vector<16xf32>
        %add3A_592 = arith.addf %add3A_541, %mul3A_591 : vector<16xf32>
        %gather3A_593 = tpu.vector_load_idx %arg8[%add3A_64, %and3A_577] : memref<216x128xf32, #tpu.memory_space<vmem>>[vector<16xi32>, vector<16xi32>], vector<16xf32>,
        %mul3A_594 = arith.mulf %gather3A_580, %gather3A_593 : vector<16xf32>
        %add3A_595 = arith.addf %add3A_544, %mul3A_594 : vector<16xf32>
        %gather3A_596 = tpu.vector_load_idx %arg8[%add3A_76, %and3A_577] : memref<216x128xf32, #tpu.memory_space<vmem>>[vector<16xi32>, vector<16xi32>], vector<16xf32>,
        %mul3A_597 = arith.mulf %gather3A_580, %gather3A_596 : vector<16xf32>
        %add3A_598 = arith.addf %add3A_547, %mul3A_597 : vector<16xf32>
        %gather3A_599 = tpu.vector_load_idx %arg8[%add3A_88, %and3A_577] : memref<216x128xf32, #tpu.memory_space<vmem>>[vector<16xi32>, vector<16xi32>], vector<16xf32>,
        %mul3A_600 = arith.mulf %gather3A_580, %gather3A_599 : vector<16xf32>
        %add3A_601 = arith.addf %add3A_550, %mul3A_600 : vector<16xf32>
        %gather3A_602 = tpu.vector_load_idx %arg8[%add3A_100, %and3A_577] : memref<216x128xf32, #tpu.memory_space<vmem>>[vector<16xi32>, vector<16xi32>], vector<16xf32>,
        %mul3A_603 = arith.mulf %gather3A_580, %gather3A_602 : vector<16xf32>
        %add3A_604 = arith.addf %add3A_553, %mul3A_603 : vector<16xf32>
        %gather3A_605 = tpu.vector_load_idx %arg8[%add3A_112, %and3A_577] : memref<216x128xf32, #tpu.memory_space<vmem>>[vector<16xi32>, vector<16xi32>], vector<16xf32>,
        %mul3A_606 = arith.mulf %gather3A_580, %gather3A_605 : vector<16xf32>
        %add3A_607 = arith.addf %add3A_556, %mul3A_606 : vector<16xf32>
        %gather3A_608 = tpu.vector_load_idx %arg8[%add3A_124, %and3A_577] : memref<216x128xf32, #tpu.memory_space<vmem>>[vector<16xi32>, vector<16xi32>], vector<16xf32>,
        %mul3A_609 = arith.mulf %gather3A_580, %gather3A_608 : vector<16xf32>
        %add3A_610 = arith.addf %add3A_559, %mul3A_609 : vector<16xf32>
        %gather3A_611 = tpu.vector_load_idx %arg8[%add3A_136, %and3A_577] : memref<216x128xf32, #tpu.memory_space<vmem>>[vector<16xi32>, vector<16xi32>], vector<16xf32>,
        %mul3A_612 = arith.mulf %gather3A_580, %gather3A_611 : vector<16xf32>
        %add3A_613 = arith.addf %add3A_562, %mul3A_612 : vector<16xf32>
        %gather3A_614 = tpu.vector_load_idx %arg8[%add3A_148, %and3A_577] : memref<216x128xf32, #tpu.memory_space<vmem>>[vector<16xi32>, vector<16xi32>], vector<16xf32>,
        %mul3A_615 = arith.mulf %gather3A_580, %gather3A_614 : vector<16xf32>
        %add3A_616 = arith.addf %add3A_565, %mul3A_615 : vector<16xf32>
        %gather3A_617 = tpu.vector_load_idx %arg8[%add3A_160, %and3A_577] : memref<216x128xf32, #tpu.memory_space<vmem>>[vector<16xi32>, vector<16xi32>], vector<16xf32>,
        %mul3A_618 = arith.mulf %gather3A_580, %gather3A_617 : vector<16xf32>
        %add3A_619 = arith.addf %add3A_568, %mul3A_618 : vector<16xf32>
        scf.yield %add3A_583, %add3A_586, %add3A_589, %add3A_592, %add3A_595, %add3A_598, %add3A_601, %add3A_604, %add3A_607, %add3A_610, %add3A_613, %add3A_616, %add3A_619 : vector<16xf32>, vector<16xf32>, vector<16xf32>, vector<16xf32>, vector<16xf32>, vector<16xf32>, vector<16xf32>, vector<16xf32>, vector<16xf32>, vector<16xf32>, vector<16xf32>, vector<16xf32>, vector<16xf32>
      }
      %scan3A_253 = arith.constant 16 : i32
      %mul3A_254 = arith.constant 200 : i32
      %mul3A_255 = arith.muli %mul3A_191, %mul3A_254 : i32
      %add3A_256 = arith.constant 0 : i32
      %add3A_257 = arith.addi %mul3A_255, %add3A_256 : i32
      %swap3A = arith.index_cast %add3A_257 : i32 to index
      %swap3A_258 = tpu.vector_load %arg10[%swap3A] {strides = array<i32>} : memref<25608xf32, #tpu.memory_space<vmem>>, vector<16xf32>,
      tpu.vector_store %arg10[%swap3A], %scan3A_252#0 {strides = array<i32>} : memref<25608xf32, #tpu.memory_space<vmem>>, vector<16xf32>,
      %add3A_259 = arith.constant 16 : i32
      %add3A_260 = arith.addi %mul3A_255, %add3A_259 : i32
      %swap3A_261 = arith.index_cast %add3A_260 : i32 to index
      %swap3A_262 = tpu.vector_load %arg10[%swap3A_261] {strides = array<i32>} : memref<25608xf32, #tpu.memory_space<vmem>>, vector<16xf32>,
      tpu.vector_store %arg10[%swap3A_261], %scan3A_252#1 {strides = array<i32>} : memref<25608xf32, #tpu.memory_space<vmem>>, vector<16xf32>,
      %add3A_263 = arith.constant 32 : i32
      %add3A_264 = arith.addi %mul3A_255, %add3A_263 : i32
      %swap3A_265 = arith.index_cast %add3A_264 : i32 to index
      %swap3A_266 = tpu.vector_load %arg10[%swap3A_265] {strides = array<i32>} : memref<25608xf32, #tpu.memory_space<vmem>>, vector<16xf32>,
      tpu.vector_store %arg10[%swap3A_265], %scan3A_252#2 {strides = array<i32>} : memref<25608xf32, #tpu.memory_space<vmem>>, vector<16xf32>,
      %add3A_267 = arith.constant 48 : i32
      %add3A_268 = arith.addi %mul3A_255, %add3A_267 : i32
      %swap3A_269 = arith.index_cast %add3A_268 : i32 to index
      %swap3A_270 = tpu.vector_load %arg10[%swap3A_269] {strides = array<i32>} : memref<25608xf32, #tpu.memory_space<vmem>>, vector<16xf32>,
      tpu.vector_store %arg10[%swap3A_269], %scan3A_252#3 {strides = array<i32>} : memref<25608xf32, #tpu.memory_space<vmem>>, vector<16xf32>,
      %add3A_271 = arith.constant 64 : i32
      %add3A_272 = arith.addi %mul3A_255, %add3A_271 : i32
      %swap3A_273 = arith.index_cast %add3A_272 : i32 to index
      %swap3A_274 = tpu.vector_load %arg10[%swap3A_273] {strides = array<i32>} : memref<25608xf32, #tpu.memory_space<vmem>>, vector<16xf32>,
      tpu.vector_store %arg10[%swap3A_273], %scan3A_252#4 {strides = array<i32>} : memref<25608xf32, #tpu.memory_space<vmem>>, vector<16xf32>,
      %add3A_275 = arith.constant 80 : i32
      %add3A_276 = arith.addi %mul3A_255, %add3A_275 : i32
      %swap3A_277 = arith.index_cast %add3A_276 : i32 to index
      %swap3A_278 = tpu.vector_load %arg10[%swap3A_277] {strides = array<i32>} : memref<25608xf32, #tpu.memory_space<vmem>>, vector<16xf32>,
      tpu.vector_store %arg10[%swap3A_277], %scan3A_252#5 {strides = array<i32>} : memref<25608xf32, #tpu.memory_space<vmem>>, vector<16xf32>,
      %add3A_279 = arith.constant 96 : i32
      %add3A_280 = arith.addi %mul3A_255, %add3A_279 : i32
      %swap3A_281 = arith.index_cast %add3A_280 : i32 to index
      %swap3A_282 = tpu.vector_load %arg10[%swap3A_281] {strides = array<i32>} : memref<25608xf32, #tpu.memory_space<vmem>>, vector<16xf32>,
      tpu.vector_store %arg10[%swap3A_281], %scan3A_252#6 {strides = array<i32>} : memref<25608xf32, #tpu.memory_space<vmem>>, vector<16xf32>,
      %add3A_283 = arith.constant 112 : i32
      %add3A_284 = arith.addi %mul3A_255, %add3A_283 : i32
      %swap3A_285 = arith.index_cast %add3A_284 : i32 to index
      %swap3A_286 = tpu.vector_load %arg10[%swap3A_285] {strides = array<i32>} : memref<25608xf32, #tpu.memory_space<vmem>>, vector<16xf32>,
      tpu.vector_store %arg10[%swap3A_285], %scan3A_252#7 {strides = array<i32>} : memref<25608xf32, #tpu.memory_space<vmem>>, vector<16xf32>,
      %add3A_287 = arith.constant 128 : i32
      %add3A_288 = arith.addi %mul3A_255, %add3A_287 : i32
      %swap3A_289 = arith.index_cast %add3A_288 : i32 to index
      %swap3A_290 = tpu.vector_load %arg10[%swap3A_289] {strides = array<i32>} : memref<25608xf32, #tpu.memory_space<vmem>>, vector<16xf32>,
      tpu.vector_store %arg10[%swap3A_289], %scan3A_252#8 {strides = array<i32>} : memref<25608xf32, #tpu.memory_space<vmem>>, vector<16xf32>,
      %add3A_291 = arith.constant 144 : i32
      %add3A_292 = arith.addi %mul3A_255, %add3A_291 : i32
      %swap3A_293 = arith.index_cast %add3A_292 : i32 to index
      %swap3A_294 = tpu.vector_load %arg10[%swap3A_293] {strides = array<i32>} : memref<25608xf32, #tpu.memory_space<vmem>>, vector<16xf32>,
      tpu.vector_store %arg10[%swap3A_293], %scan3A_252#9 {strides = array<i32>} : memref<25608xf32, #tpu.memory_space<vmem>>, vector<16xf32>,
      %add3A_295 = arith.constant 160 : i32
      %add3A_296 = arith.addi %mul3A_255, %add3A_295 : i32
      %swap3A_297 = arith.index_cast %add3A_296 : i32 to index
      %swap3A_298 = tpu.vector_load %arg10[%swap3A_297] {strides = array<i32>} : memref<25608xf32, #tpu.memory_space<vmem>>, vector<16xf32>,
      tpu.vector_store %arg10[%swap3A_297], %scan3A_252#10 {strides = array<i32>} : memref<25608xf32, #tpu.memory_space<vmem>>, vector<16xf32>,
      %add3A_299 = arith.constant 176 : i32
      %add3A_300 = arith.addi %mul3A_255, %add3A_299 : i32
      %swap3A_301 = arith.index_cast %add3A_300 : i32 to index
      %swap3A_302 = tpu.vector_load %arg10[%swap3A_301] {strides = array<i32>} : memref<25608xf32, #tpu.memory_space<vmem>>, vector<16xf32>,
      tpu.vector_store %arg10[%swap3A_301], %scan3A_252#11 {strides = array<i32>} : memref<25608xf32, #tpu.memory_space<vmem>>, vector<16xf32>,
      %add3A_303 = arith.constant 192 : i32
      %add3A_304 = arith.addi %mul3A_255, %add3A_303 : i32
      %swap3A_305 = arith.index_cast %add3A_304 : i32 to index
      %swap3A_306 = tpu.vector_load %arg10[%swap3A_305] {strides = array<i32>} : memref<25608xf32, #tpu.memory_space<vmem>>, vector<16xf32>,
      tpu.vector_store %arg10[%swap3A_305], %scan3A_252#12 {strides = array<i32>} : memref<25608xf32, #tpu.memory_space<vmem>>, vector<16xf32>,
      %lt3A = arith.constant 63 : i32
      %lt3A_307 = arith.cmpi slt, %scan3A_189, %lt3A : i32
      %convert_element_type3A_308 = arith.extui %lt3A_307 : i1 to i32
      %cond3A = arith.constant 0 : i32
      %cond3A_309 = arith.cmpi ne, %convert_element_type3A_308, %cond3A : i32
      scf.if %cond3A_309 {
        %add3A_404 = arith.constant 2 : i32
        %add3A_405 = arith.addi %mul3A_191, %add3A_404 : i32
        %mul3A_406 = arith.constant 2 : i32
        %mul3A_407 = arith.muli %mul3A_406, %add3A_405 : i32
        %add3A_408 = arith.constant 0 : i32
        %add3A_409 = arith.addi %mul3A_407, %add3A_408 : i32
        %mul3A_410 = arith.constant 2 : i32
        %mul3A_411 = arith.muli %mul3A_410, %add3A_405 : i32
        %add3A_412 = arith.constant 1 : i32
        %add3A_413 = arith.addi %mul3A_411, %add3A_412 : i32
        %dma_start3A_414 = arith.constant 0 : i32
        %dma_start3A_415 = arith.constant 0 : i32
        %dma_start3A_416 = tpu.memref_slice %arg8[%dma_start3A_414, %dma_start3A_415] : memref<216x128xf32, #tpu.memory_space<vmem>> -> memref<100x128xf32, #tpu.memory_space<vmem>>
        %dma_start3A_417 = arith.constant 0 : i32
        %dma_start3A_418 = tpu.memref_slice %arg7[%add3A_409, %dma_start3A_417] : memref<256x100xi32, #tpu.memory_space<vmem>> -> memref<1x100xi32, #tpu.memory_space<vmem>>
        %dma_start3A_419 = tpu.memref_squeeze %dma_start3A_418 : memref<1x100xi32, #tpu.memory_space<vmem>> -> memref<100xi32, #tpu.memory_space<vmem>>
        %dma_start3A_420 = arith.constant 0 : i32
        %dma_start3A_421 = arith.constant 0 : i32
        %dma_start3A_422 = tpu.memref_slice %arg4[%dma_start3A_420, %dma_start3A_421] : memref<1000000x128xf32, #tpu.memory_space<hbm>> -> memref<1000000x128xf32, #tpu.memory_space<hbm>>
        tpu.enqueue_indirect_dma source(%dma_start3A_422 : memref<1000000x128xf32, #tpu.memory_space<hbm>>) target(%dma_start3A_416 : memref<100x128xf32, #tpu.memory_space<vmem>>) offsets(%dma_start3A_419 : memref<100xi32, #tpu.memory_space<vmem>>) semaphore(%arg11 : memref<!tpu.dma_semaphore, #tpu.memory_space<semaphore_mem>>)
        %dma_start3A_423 = arith.constant 104 : i32
        %dma_start3A_424 = arith.constant 0 : i32
        %dma_start3A_425 = tpu.memref_slice %arg8[%dma_start3A_423, %dma_start3A_424] : memref<216x128xf32, #tpu.memory_space<vmem>> -> memref<100x128xf32, #tpu.memory_space<vmem>>
        %dma_start3A_426 = arith.constant 0 : i32
        %dma_start3A_427 = tpu.memref_slice %arg7[%add3A_413, %dma_start3A_426] : memref<256x100xi32, #tpu.memory_space<vmem>> -> memref<1x100xi32, #tpu.memory_space<vmem>>
        %dma_start3A_428 = tpu.memref_squeeze %dma_start3A_427 : memref<1x100xi32, #tpu.memory_space<vmem>> -> memref<100xi32, #tpu.memory_space<vmem>>
        %dma_start3A_429 = arith.constant 0 : i32
        %dma_start3A_430 = arith.constant 0 : i32
        %dma_start3A_431 = tpu.memref_slice %arg4[%dma_start3A_429, %dma_start3A_430] : memref<1000000x128xf32, #tpu.memory_space<hbm>> -> memref<1000000x128xf32, #tpu.memory_space<hbm>>
        tpu.enqueue_indirect_dma source(%dma_start3A_431 : memref<1000000x128xf32, #tpu.memory_space<hbm>>) target(%dma_start3A_425 : memref<100x128xf32, #tpu.memory_space<vmem>>) offsets(%dma_start3A_428 : memref<100xi32, #tpu.memory_space<vmem>>) semaphore(%arg11 : memref<!tpu.dma_semaphore, #tpu.memory_space<semaphore_mem>>)
      } else {
      }
      %add3A_310 = arith.constant 1 : i32
      %add3A_311 = arith.addi %mul3A_191, %add3A_310 : i32
      %mul3A_312 = arith.constant 2 : i32
      %mul3A_313 = arith.muli %mul3A_312, %add3A_311 : i32
      %add3A_314 = arith.constant 0 : i32
      %add3A_315 = arith.addi %mul3A_313, %add3A_314 : i32
      %mul3A_316 = arith.constant 2 : i32
      %mul3A_317 = arith.muli %mul3A_316, %add3A_311 : i32
      %add3A_318 = arith.constant 1 : i32
      %add3A_319 = arith.addi %mul3A_317, %add3A_318 : i32
      %dma_wait3A_320 = arith.constant 0 : i32
      %dma_wait3A_321 = arith.constant 0 : i32
      %dma_wait3A_322 = tpu.memref_slice %arg9[%dma_wait3A_320, %dma_wait3A_321] : memref<216x128xf32, #tpu.memory_space<vmem>> -> memref<100x128xf32, #tpu.memory_space<vmem>>
      %dma_wait3A_323 = arith.constant 0 : i32
      %dma_wait3A_324 = tpu.memref_slice %arg7[%add3A_315, %dma_wait3A_323] : memref<256x100xi32, #tpu.memory_space<vmem>> -> memref<1x100xi32, #tpu.memory_space<vmem>>
      %dma_wait3A_325 = tpu.memref_squeeze %dma_wait3A_324 : memref<1x100xi32, #tpu.memory_space<vmem>> -> memref<100xi32, #tpu.memory_space<vmem>>
      %dma_wait3A_326 = arith.constant 0 : i32
      %dma_wait3A_327 = arith.constant 0 : i32
      %dma_wait3A_328 = tpu.memref_slice %arg4[%dma_wait3A_326, %dma_wait3A_327] : memref<1000000x128xf32, #tpu.memory_space<hbm>> -> memref<1000000x128xf32, #tpu.memory_space<hbm>>
      tpu.wait_indirect_dma semaphore(%arg12 : memref<!tpu.dma_semaphore, #tpu.memory_space<semaphore_mem>>) src(%dma_wait3A_328 : memref<1000000x128xf32, #tpu.memory_space<hbm>>) dst(%dma_wait3A_322 : memref<100x128xf32, #tpu.memory_space<vmem>>)
      %dma_wait3A_329 = arith.constant 104 : i32
      %dma_wait3A_330 = arith.constant 0 : i32
      %dma_wait3A_331 = tpu.memref_slice %arg9[%dma_wait3A_329, %dma_wait3A_330] : memref<216x128xf32, #tpu.memory_space<vmem>> -> memref<100x128xf32, #tpu.memory_space<vmem>>
      %dma_wait3A_332 = arith.constant 0 : i32
      %dma_wait3A_333 = tpu.memref_slice %arg7[%add3A_319, %dma_wait3A_332] : memref<256x100xi32, #tpu.memory_space<vmem>> -> memref<1x100xi32, #tpu.memory_space<vmem>>
      %dma_wait3A_334 = tpu.memref_squeeze %dma_wait3A_333 : memref<1x100xi32, #tpu.memory_space<vmem>> -> memref<100xi32, #tpu.memory_space<vmem>>
      %dma_wait3A_335 = arith.constant 0 : i32
      %dma_wait3A_336 = arith.constant 0 : i32
      %dma_wait3A_337 = tpu.memref_slice %arg4[%dma_wait3A_335, %dma_wait3A_336] : memref<1000000x128xf32, #tpu.memory_space<hbm>> -> memref<1000000x128xf32, #tpu.memory_space<hbm>>
      tpu.wait_indirect_dma semaphore(%arg12 : memref<!tpu.dma_semaphore, #tpu.memory_space<semaphore_mem>>) src(%dma_wait3A_337 : memref<1000000x128xf32, #tpu.memory_space<hbm>>) dst(%dma_wait3A_331 : memref<100x128xf32, #tpu.memory_space<vmem>>)
      %add3A_338 = arith.constant 1 : i32
      %add3A_339 = arith.addi %mul3A_191, %add3A_338 : i32
      %mul3A_340 = arith.constant 64 : i32
      %mul3A_341 = arith.muli %add3A_339, %mul3A_340 : i32
      %broadcast_in_dim3A_342 = arith.constant 0.000000e+00 : f32
      %broadcast_in_dim3A_343 = vector.broadcast %broadcast_in_dim3A_342 : f32 to vector<16xf32>
      %scan3A_344 = arith.constant 0 : i32
      %scan3A_345 = arith.constant 16 : i32
      %scan3A_346 = arith.addi %scan3A_344, %scan3A_345 : i32
      %scan3A_347 = arith.constant 1 : i32
      %scan3A_348:13 = scf.for %scan3A_404 = %scan3A_344 to %scan3A_346 step %scan3A_347 iter_args(%scan3A_405 = %broadcast_in_dim3A_343, %scan3A_406 = %broadcast_in_dim3A_343, %scan3A_407 = %broadcast_in_dim3A_343, %scan3A_408 = %broadcast_in_dim3A_343, %scan3A_409 = %broadcast_in_dim3A_343, %scan3A_410 = %broadcast_in_dim3A_343, %scan3A_411 = %broadcast_in_dim3A_343, %scan3A_412 = %broadcast_in_dim3A_343, %scan3A_413 = %broadcast_in_dim3A_343, %scan3A_414 = %broadcast_in_dim3A_343, %scan3A_415 = %broadcast_in_dim3A_343, %scan3A_416 = %broadcast_in_dim3A_343, %scan3A_417 = %broadcast_in_dim3A_343) -> (vector<16xf32>, vector<16xf32>, vector<16xf32>, vector<16xf32>, vector<16xf32>, vector<16xf32>, vector<16xf32>, vector<16xf32>, vector<16xf32>, vector<16xf32>, vector<16xf32>, vector<16xf32>, vector<16xf32>)  : i32 {
        %mul3A_418 = arith.constant 4 : i32
        %mul3A_419 = arith.muli %scan3A_404, %mul3A_418 : i32
        %add3A_420 = arith.constant 0 : i32
        %add3A_421 = arith.addi %mul3A_419, %add3A_420 : i32
        %add3A_422 = vector.broadcast %add3A_421 : i32 to vector<16xi32>
        %add3A_423 = arith.addi %iota3A, %add3A_422 : vector<16xi32>
        %and3A = arith.constant 63 : i32
        %and3A_424 = vector.broadcast %and3A : i32 to vector<16xi32>
        %and3A_425 = arith.andi %add3A_423, %and3A_424 : vector<16xi32>
        %add3A_426 = vector.broadcast %mul3A_341 : i32 to vector<16xi32>
        %add3A_427 = arith.addi %add3A_426, %and3A_425 : vector<16xi32>
        %gather3A = tpu.vector_load_idx %arg6[%add3A_427] : memref<8192xf32, #tpu.memory_space<vmem>>[vector<16xi32>], vector<16xf32>,
        %gather3A_428 = tpu.vector_load_idx %arg9[%add3A_16, %and3A_425] : memref<216x128xf32, #tpu.memory_space<vmem>>[vector<16xi32>, vector<16xi32>], vector<16xf32>,
        %mul3A_429 = arith.mulf %gather3A, %gather3A_428 : vector<16xf32>
        %add3A_430 = arith.addf %scan3A_405, %mul3A_429 : vector<16xf32>
        %gather3A_431 = tpu.vector_load_idx %arg9[%add3A_28, %and3A_425] : memref<216x128xf32, #tpu.memory_space<vmem>>[vector<16xi32>, vector<16xi32>], vector<16xf32>,
        %mul3A_432 = arith.mulf %gather3A, %gather3A_431 : vector<16xf32>
        %add3A_433 = arith.addf %scan3A_406, %mul3A_432 : vector<16xf32>
        %gather3A_434 = tpu.vector_load_idx %arg9[%add3A_40, %and3A_425] : memref<216x128xf32, #tpu.memory_space<vmem>>[vector<16xi32>, vector<16xi32>], vector<16xf32>,
        %mul3A_435 = arith.mulf %gather3A, %gather3A_434 : vector<16xf32>
        %add3A_436 = arith.addf %scan3A_407, %mul3A_435 : vector<16xf32>
        %gather3A_437 = tpu.vector_load_idx %arg9[%add3A_52, %and3A_425] : memref<216x128xf32, #tpu.memory_space<vmem>>[vector<16xi32>, vector<16xi32>], vector<16xf32>,
        %mul3A_438 = arith.mulf %gather3A, %gather3A_437 : vector<16xf32>
        %add3A_439 = arith.addf %scan3A_408, %mul3A_438 : vector<16xf32>
        %gather3A_440 = tpu.vector_load_idx %arg9[%add3A_64, %and3A_425] : memref<216x128xf32, #tpu.memory_space<vmem>>[vector<16xi32>, vector<16xi32>], vector<16xf32>,
        %mul3A_441 = arith.mulf %gather3A, %gather3A_440 : vector<16xf32>
        %add3A_442 = arith.addf %scan3A_409, %mul3A_441 : vector<16xf32>
        %gather3A_443 = tpu.vector_load_idx %arg9[%add3A_76, %and3A_425] : memref<216x128xf32, #tpu.memory_space<vmem>>[vector<16xi32>, vector<16xi32>], vector<16xf32>,
        %mul3A_444 = arith.mulf %gather3A, %gather3A_443 : vector<16xf32>
        %add3A_445 = arith.addf %scan3A_410, %mul3A_444 : vector<16xf32>
        %gather3A_446 = tpu.vector_load_idx %arg9[%add3A_88, %and3A_425] : memref<216x128xf32, #tpu.memory_space<vmem>>[vector<16xi32>, vector<16xi32>], vector<16xf32>,
        %mul3A_447 = arith.mulf %gather3A, %gather3A_446 : vector<16xf32>
        %add3A_448 = arith.addf %scan3A_411, %mul3A_447 : vector<16xf32>
        %gather3A_449 = tpu.vector_load_idx %arg9[%add3A_100, %and3A_425] : memref<216x128xf32, #tpu.memory_space<vmem>>[vector<16xi32>, vector<16xi32>], vector<16xf32>,
        %mul3A_450 = arith.mulf %gather3A, %gather3A_449 : vector<16xf32>
        %add3A_451 = arith.addf %scan3A_412, %mul3A_450 : vector<16xf32>
        %gather3A_452 = tpu.vector_load_idx %arg9[%add3A_112, %and3A_425] : memref<216x128xf32, #tpu.memory_space<vmem>>[vector<16xi32>, vector<16xi32>], vector<16xf32>,
        %mul3A_453 = arith.mulf %gather3A, %gather3A_452 : vector<16xf32>
        %add3A_454 = arith.addf %scan3A_413, %mul3A_453 : vector<16xf32>
        %gather3A_455 = tpu.vector_load_idx %arg9[%add3A_124, %and3A_425] : memref<216x128xf32, #tpu.memory_space<vmem>>[vector<16xi32>, vector<16xi32>], vector<16xf32>,
        %mul3A_456 = arith.mulf %gather3A, %gather3A_455 : vector<16xf32>
        %add3A_457 = arith.addf %scan3A_414, %mul3A_456 : vector<16xf32>
        %gather3A_458 = tpu.vector_load_idx %arg9[%add3A_136, %and3A_425] : memref<216x128xf32, #tpu.memory_space<vmem>>[vector<16xi32>, vector<16xi32>], vector<16xf32>,
        %mul3A_459 = arith.mulf %gather3A, %gather3A_458 : vector<16xf32>
        %add3A_460 = arith.addf %scan3A_415, %mul3A_459 : vector<16xf32>
        %gather3A_461 = tpu.vector_load_idx %arg9[%add3A_148, %and3A_425] : memref<216x128xf32, #tpu.memory_space<vmem>>[vector<16xi32>, vector<16xi32>], vector<16xf32>,
        %mul3A_462 = arith.mulf %gather3A, %gather3A_461 : vector<16xf32>
        %add3A_463 = arith.addf %scan3A_416, %mul3A_462 : vector<16xf32>
        %gather3A_464 = tpu.vector_load_idx %arg9[%add3A_160, %and3A_425] : memref<216x128xf32, #tpu.memory_space<vmem>>[vector<16xi32>, vector<16xi32>], vector<16xf32>,
        %mul3A_465 = arith.mulf %gather3A, %gather3A_464 : vector<16xf32>
        %add3A_466 = arith.addf %scan3A_417, %mul3A_465 : vector<16xf32>
        %mul3A_467 = arith.constant 4 : i32
        %mul3A_468 = arith.muli %scan3A_404, %mul3A_467 : i32
        %add3A_469 = arith.constant 1 : i32
        %add3A_470 = arith.addi %mul3A_468, %add3A_469 : i32
        %add3A_471 = vector.broadcast %add3A_470 : i32 to vector<16xi32>
        %add3A_472 = arith.addi %iota3A, %add3A_471 : vector<16xi32>
        %and3A_473 = arith.constant 63 : i32
        %and3A_474 = vector.broadcast %and3A_473 : i32 to vector<16xi32>
        %and3A_475 = arith.andi %add3A_472, %and3A_474 : vector<16xi32>
        %add3A_476 = vector.broadcast %mul3A_341 : i32 to vector<16xi32>
        %add3A_477 = arith.addi %add3A_476, %and3A_475 : vector<16xi32>
        %gather3A_478 = tpu.vector_load_idx %arg6[%add3A_477] : memref<8192xf32, #tpu.memory_space<vmem>>[vector<16xi32>], vector<16xf32>,
        %gather3A_479 = tpu.vector_load_idx %arg9[%add3A_16, %and3A_475] : memref<216x128xf32, #tpu.memory_space<vmem>>[vector<16xi32>, vector<16xi32>], vector<16xf32>,
        %mul3A_480 = arith.mulf %gather3A_478, %gather3A_479 : vector<16xf32>
        %add3A_481 = arith.addf %add3A_430, %mul3A_480 : vector<16xf32>
        %gather3A_482 = tpu.vector_load_idx %arg9[%add3A_28, %and3A_475] : memref<216x128xf32, #tpu.memory_space<vmem>>[vector<16xi32>, vector<16xi32>], vector<16xf32>,
        %mul3A_483 = arith.mulf %gather3A_478, %gather3A_482 : vector<16xf32>
        %add3A_484 = arith.addf %add3A_433, %mul3A_483 : vector<16xf32>
        %gather3A_485 = tpu.vector_load_idx %arg9[%add3A_40, %and3A_475] : memref<216x128xf32, #tpu.memory_space<vmem>>[vector<16xi32>, vector<16xi32>], vector<16xf32>,
        %mul3A_486 = arith.mulf %gather3A_478, %gather3A_485 : vector<16xf32>
        %add3A_487 = arith.addf %add3A_436, %mul3A_486 : vector<16xf32>
        %gather3A_488 = tpu.vector_load_idx %arg9[%add3A_52, %and3A_475] : memref<216x128xf32, #tpu.memory_space<vmem>>[vector<16xi32>, vector<16xi32>], vector<16xf32>,
        %mul3A_489 = arith.mulf %gather3A_478, %gather3A_488 : vector<16xf32>
        %add3A_490 = arith.addf %add3A_439, %mul3A_489 : vector<16xf32>
        %gather3A_491 = tpu.vector_load_idx %arg9[%add3A_64, %and3A_475] : memref<216x128xf32, #tpu.memory_space<vmem>>[vector<16xi32>, vector<16xi32>], vector<16xf32>,
        %mul3A_492 = arith.mulf %gather3A_478, %gather3A_491 : vector<16xf32>
        %add3A_493 = arith.addf %add3A_442, %mul3A_492 : vector<16xf32>
        %gather3A_494 = tpu.vector_load_idx %arg9[%add3A_76, %and3A_475] : memref<216x128xf32, #tpu.memory_space<vmem>>[vector<16xi32>, vector<16xi32>], vector<16xf32>,
        %mul3A_495 = arith.mulf %gather3A_478, %gather3A_494 : vector<16xf32>
        %add3A_496 = arith.addf %add3A_445, %mul3A_495 : vector<16xf32>
        %gather3A_497 = tpu.vector_load_idx %arg9[%add3A_88, %and3A_475] : memref<216x128xf32, #tpu.memory_space<vmem>>[vector<16xi32>, vector<16xi32>], vector<16xf32>,
        %mul3A_498 = arith.mulf %gather3A_478, %gather3A_497 : vector<16xf32>
        %add3A_499 = arith.addf %add3A_448, %mul3A_498 : vector<16xf32>
        %gather3A_500 = tpu.vector_load_idx %arg9[%add3A_100, %and3A_475] : memref<216x128xf32, #tpu.memory_space<vmem>>[vector<16xi32>, vector<16xi32>], vector<16xf32>,
        %mul3A_501 = arith.mulf %gather3A_478, %gather3A_500 : vector<16xf32>
        %add3A_502 = arith.addf %add3A_451, %mul3A_501 : vector<16xf32>
        %gather3A_503 = tpu.vector_load_idx %arg9[%add3A_112, %and3A_475] : memref<216x128xf32, #tpu.memory_space<vmem>>[vector<16xi32>, vector<16xi32>], vector<16xf32>,
        %mul3A_504 = arith.mulf %gather3A_478, %gather3A_503 : vector<16xf32>
        %add3A_505 = arith.addf %add3A_454, %mul3A_504 : vector<16xf32>
        %gather3A_506 = tpu.vector_load_idx %arg9[%add3A_124, %and3A_475] : memref<216x128xf32, #tpu.memory_space<vmem>>[vector<16xi32>, vector<16xi32>], vector<16xf32>,
        %mul3A_507 = arith.mulf %gather3A_478, %gather3A_506 : vector<16xf32>
        %add3A_508 = arith.addf %add3A_457, %mul3A_507 : vector<16xf32>
        %gather3A_509 = tpu.vector_load_idx %arg9[%add3A_136, %and3A_475] : memref<216x128xf32, #tpu.memory_space<vmem>>[vector<16xi32>, vector<16xi32>], vector<16xf32>,
        %mul3A_510 = arith.mulf %gather3A_478, %gather3A_509 : vector<16xf32>
        %add3A_511 = arith.addf %add3A_460, %mul3A_510 : vector<16xf32>
        %gather3A_512 = tpu.vector_load_idx %arg9[%add3A_148, %and3A_475] : memref<216x128xf32, #tpu.memory_space<vmem>>[vector<16xi32>, vector<16xi32>], vector<16xf32>,
        %mul3A_513 = arith.mulf %gather3A_478, %gather3A_512 : vector<16xf32>
        %add3A_514 = arith.addf %add3A_463, %mul3A_513 : vector<16xf32>
        %gather3A_515 = tpu.vector_load_idx %arg9[%add3A_160, %and3A_475] : memref<216x128xf32, #tpu.memory_space<vmem>>[vector<16xi32>, vector<16xi32>], vector<16xf32>,
        %mul3A_516 = arith.mulf %gather3A_478, %gather3A_515 : vector<16xf32>
        %add3A_517 = arith.addf %add3A_466, %mul3A_516 : vector<16xf32>
        %mul3A_518 = arith.constant 4 : i32
        %mul3A_519 = arith.muli %scan3A_404, %mul3A_518 : i32
        %add3A_520 = arith.constant 2 : i32
        %add3A_521 = arith.addi %mul3A_519, %add3A_520 : i32
        %add3A_522 = vector.broadcast %add3A_521 : i32 to vector<16xi32>
        %add3A_523 = arith.addi %iota3A, %add3A_522 : vector<16xi32>
        %and3A_524 = arith.constant 63 : i32
        %and3A_525 = vector.broadcast %and3A_524 : i32 to vector<16xi32>
        %and3A_526 = arith.andi %add3A_523, %and3A_525 : vector<16xi32>
        %add3A_527 = vector.broadcast %mul3A_341 : i32 to vector<16xi32>
        %add3A_528 = arith.addi %add3A_527, %and3A_526 : vector<16xi32>
        %gather3A_529 = tpu.vector_load_idx %arg6[%add3A_528] : memref<8192xf32, #tpu.memory_space<vmem>>[vector<16xi32>], vector<16xf32>,
        %gather3A_530 = tpu.vector_load_idx %arg9[%add3A_16, %and3A_526] : memref<216x128xf32, #tpu.memory_space<vmem>>[vector<16xi32>, vector<16xi32>], vector<16xf32>,
        %mul3A_531 = arith.mulf %gather3A_529, %gather3A_530 : vector<16xf32>
        %add3A_532 = arith.addf %add3A_481, %mul3A_531 : vector<16xf32>
        %gather3A_533 = tpu.vector_load_idx %arg9[%add3A_28, %and3A_526] : memref<216x128xf32, #tpu.memory_space<vmem>>[vector<16xi32>, vector<16xi32>], vector<16xf32>,
        %mul3A_534 = arith.mulf %gather3A_529, %gather3A_533 : vector<16xf32>
        %add3A_535 = arith.addf %add3A_484, %mul3A_534 : vector<16xf32>
        %gather3A_536 = tpu.vector_load_idx %arg9[%add3A_40, %and3A_526] : memref<216x128xf32, #tpu.memory_space<vmem>>[vector<16xi32>, vector<16xi32>], vector<16xf32>,
        %mul3A_537 = arith.mulf %gather3A_529, %gather3A_536 : vector<16xf32>
        %add3A_538 = arith.addf %add3A_487, %mul3A_537 : vector<16xf32>
        %gather3A_539 = tpu.vector_load_idx %arg9[%add3A_52, %and3A_526] : memref<216x128xf32, #tpu.memory_space<vmem>>[vector<16xi32>, vector<16xi32>], vector<16xf32>,
        %mul3A_540 = arith.mulf %gather3A_529, %gather3A_539 : vector<16xf32>
        %add3A_541 = arith.addf %add3A_490, %mul3A_540 : vector<16xf32>
        %gather3A_542 = tpu.vector_load_idx %arg9[%add3A_64, %and3A_526] : memref<216x128xf32, #tpu.memory_space<vmem>>[vector<16xi32>, vector<16xi32>], vector<16xf32>,
        %mul3A_543 = arith.mulf %gather3A_529, %gather3A_542 : vector<16xf32>
        %add3A_544 = arith.addf %add3A_493, %mul3A_543 : vector<16xf32>
        %gather3A_545 = tpu.vector_load_idx %arg9[%add3A_76, %and3A_526] : memref<216x128xf32, #tpu.memory_space<vmem>>[vector<16xi32>, vector<16xi32>], vector<16xf32>,
        %mul3A_546 = arith.mulf %gather3A_529, %gather3A_545 : vector<16xf32>
        %add3A_547 = arith.addf %add3A_496, %mul3A_546 : vector<16xf32>
        %gather3A_548 = tpu.vector_load_idx %arg9[%add3A_88, %and3A_526] : memref<216x128xf32, #tpu.memory_space<vmem>>[vector<16xi32>, vector<16xi32>], vector<16xf32>,
        %mul3A_549 = arith.mulf %gather3A_529, %gather3A_548 : vector<16xf32>
        %add3A_550 = arith.addf %add3A_499, %mul3A_549 : vector<16xf32>
        %gather3A_551 = tpu.vector_load_idx %arg9[%add3A_100, %and3A_526] : memref<216x128xf32, #tpu.memory_space<vmem>>[vector<16xi32>, vector<16xi32>], vector<16xf32>,
        %mul3A_552 = arith.mulf %gather3A_529, %gather3A_551 : vector<16xf32>
        %add3A_553 = arith.addf %add3A_502, %mul3A_552 : vector<16xf32>
        %gather3A_554 = tpu.vector_load_idx %arg9[%add3A_112, %and3A_526] : memref<216x128xf32, #tpu.memory_space<vmem>>[vector<16xi32>, vector<16xi32>], vector<16xf32>,
        %mul3A_555 = arith.mulf %gather3A_529, %gather3A_554 : vector<16xf32>
        %add3A_556 = arith.addf %add3A_505, %mul3A_555 : vector<16xf32>
        %gather3A_557 = tpu.vector_load_idx %arg9[%add3A_124, %and3A_526] : memref<216x128xf32, #tpu.memory_space<vmem>>[vector<16xi32>, vector<16xi32>], vector<16xf32>,
        %mul3A_558 = arith.mulf %gather3A_529, %gather3A_557 : vector<16xf32>
        %add3A_559 = arith.addf %add3A_508, %mul3A_558 : vector<16xf32>
        %gather3A_560 = tpu.vector_load_idx %arg9[%add3A_136, %and3A_526] : memref<216x128xf32, #tpu.memory_space<vmem>>[vector<16xi32>, vector<16xi32>], vector<16xf32>,
        %mul3A_561 = arith.mulf %gather3A_529, %gather3A_560 : vector<16xf32>
        %add3A_562 = arith.addf %add3A_511, %mul3A_561 : vector<16xf32>
        %gather3A_563 = tpu.vector_load_idx %arg9[%add3A_148, %and3A_526] : memref<216x128xf32, #tpu.memory_space<vmem>>[vector<16xi32>, vector<16xi32>], vector<16xf32>,
        %mul3A_564 = arith.mulf %gather3A_529, %gather3A_563 : vector<16xf32>
        %add3A_565 = arith.addf %add3A_514, %mul3A_564 : vector<16xf32>
        %gather3A_566 = tpu.vector_load_idx %arg9[%add3A_160, %and3A_526] : memref<216x128xf32, #tpu.memory_space<vmem>>[vector<16xi32>, vector<16xi32>], vector<16xf32>,
        %mul3A_567 = arith.mulf %gather3A_529, %gather3A_566 : vector<16xf32>
        %add3A_568 = arith.addf %add3A_517, %mul3A_567 : vector<16xf32>
        %mul3A_569 = arith.constant 4 : i32
        %mul3A_570 = arith.muli %scan3A_404, %mul3A_569 : i32
        %add3A_571 = arith.constant 3 : i32
        %add3A_572 = arith.addi %mul3A_570, %add3A_571 : i32
        %add3A_573 = vector.broadcast %add3A_572 : i32 to vector<16xi32>
        %add3A_574 = arith.addi %iota3A, %add3A_573 : vector<16xi32>
        %and3A_575 = arith.constant 63 : i32
        %and3A_576 = vector.broadcast %and3A_575 : i32 to vector<16xi32>
        %and3A_577 = arith.andi %add3A_574, %and3A_576 : vector<16xi32>
        %add3A_578 = vector.broadcast %mul3A_341 : i32 to vector<16xi32>
        %add3A_579 = arith.addi %add3A_578, %and3A_577 : vector<16xi32>
        %gather3A_580 = tpu.vector_load_idx %arg6[%add3A_579] : memref<8192xf32, #tpu.memory_space<vmem>>[vector<16xi32>], vector<16xf32>,
        %gather3A_581 = tpu.vector_load_idx %arg9[%add3A_16, %and3A_577] : memref<216x128xf32, #tpu.memory_space<vmem>>[vector<16xi32>, vector<16xi32>], vector<16xf32>,
        %mul3A_582 = arith.mulf %gather3A_580, %gather3A_581 : vector<16xf32>
        %add3A_583 = arith.addf %add3A_532, %mul3A_582 : vector<16xf32>
        %gather3A_584 = tpu.vector_load_idx %arg9[%add3A_28, %and3A_577] : memref<216x128xf32, #tpu.memory_space<vmem>>[vector<16xi32>, vector<16xi32>], vector<16xf32>,
        %mul3A_585 = arith.mulf %gather3A_580, %gather3A_584 : vector<16xf32>
        %add3A_586 = arith.addf %add3A_535, %mul3A_585 : vector<16xf32>
        %gather3A_587 = tpu.vector_load_idx %arg9[%add3A_40, %and3A_577] : memref<216x128xf32, #tpu.memory_space<vmem>>[vector<16xi32>, vector<16xi32>], vector<16xf32>,
        %mul3A_588 = arith.mulf %gather3A_580, %gather3A_587 : vector<16xf32>
        %add3A_589 = arith.addf %add3A_538, %mul3A_588 : vector<16xf32>
        %gather3A_590 = tpu.vector_load_idx %arg9[%add3A_52, %and3A_577] : memref<216x128xf32, #tpu.memory_space<vmem>>[vector<16xi32>, vector<16xi32>], vector<16xf32>,
        %mul3A_591 = arith.mulf %gather3A_580, %gather3A_590 : vector<16xf32>
        %add3A_592 = arith.addf %add3A_541, %mul3A_591 : vector<16xf32>
        %gather3A_593 = tpu.vector_load_idx %arg9[%add3A_64, %and3A_577] : memref<216x128xf32, #tpu.memory_space<vmem>>[vector<16xi32>, vector<16xi32>], vector<16xf32>,
        %mul3A_594 = arith.mulf %gather3A_580, %gather3A_593 : vector<16xf32>
        %add3A_595 = arith.addf %add3A_544, %mul3A_594 : vector<16xf32>
        %gather3A_596 = tpu.vector_load_idx %arg9[%add3A_76, %and3A_577] : memref<216x128xf32, #tpu.memory_space<vmem>>[vector<16xi32>, vector<16xi32>], vector<16xf32>,
        %mul3A_597 = arith.mulf %gather3A_580, %gather3A_596 : vector<16xf32>
        %add3A_598 = arith.addf %add3A_547, %mul3A_597 : vector<16xf32>
        %gather3A_599 = tpu.vector_load_idx %arg9[%add3A_88, %and3A_577] : memref<216x128xf32, #tpu.memory_space<vmem>>[vector<16xi32>, vector<16xi32>], vector<16xf32>,
        %mul3A_600 = arith.mulf %gather3A_580, %gather3A_599 : vector<16xf32>
        %add3A_601 = arith.addf %add3A_550, %mul3A_600 : vector<16xf32>
        %gather3A_602 = tpu.vector_load_idx %arg9[%add3A_100, %and3A_577] : memref<216x128xf32, #tpu.memory_space<vmem>>[vector<16xi32>, vector<16xi32>], vector<16xf32>,
        %mul3A_603 = arith.mulf %gather3A_580, %gather3A_602 : vector<16xf32>
        %add3A_604 = arith.addf %add3A_553, %mul3A_603 : vector<16xf32>
        %gather3A_605 = tpu.vector_load_idx %arg9[%add3A_112, %and3A_577] : memref<216x128xf32, #tpu.memory_space<vmem>>[vector<16xi32>, vector<16xi32>], vector<16xf32>,
        %mul3A_606 = arith.mulf %gather3A_580, %gather3A_605 : vector<16xf32>
        %add3A_607 = arith.addf %add3A_556, %mul3A_606 : vector<16xf32>
        %gather3A_608 = tpu.vector_load_idx %arg9[%add3A_124, %and3A_577] : memref<216x128xf32, #tpu.memory_space<vmem>>[vector<16xi32>, vector<16xi32>], vector<16xf32>,
        %mul3A_609 = arith.mulf %gather3A_580, %gather3A_608 : vector<16xf32>
        %add3A_610 = arith.addf %add3A_559, %mul3A_609 : vector<16xf32>
        %gather3A_611 = tpu.vector_load_idx %arg9[%add3A_136, %and3A_577] : memref<216x128xf32, #tpu.memory_space<vmem>>[vector<16xi32>, vector<16xi32>], vector<16xf32>,
        %mul3A_612 = arith.mulf %gather3A_580, %gather3A_611 : vector<16xf32>
        %add3A_613 = arith.addf %add3A_562, %mul3A_612 : vector<16xf32>
        %gather3A_614 = tpu.vector_load_idx %arg9[%add3A_148, %and3A_577] : memref<216x128xf32, #tpu.memory_space<vmem>>[vector<16xi32>, vector<16xi32>], vector<16xf32>,
        %mul3A_615 = arith.mulf %gather3A_580, %gather3A_614 : vector<16xf32>
        %add3A_616 = arith.addf %add3A_565, %mul3A_615 : vector<16xf32>
        %gather3A_617 = tpu.vector_load_idx %arg9[%add3A_160, %and3A_577] : memref<216x128xf32, #tpu.memory_space<vmem>>[vector<16xi32>, vector<16xi32>], vector<16xf32>,
        %mul3A_618 = arith.mulf %gather3A_580, %gather3A_617 : vector<16xf32>
        %add3A_619 = arith.addf %add3A_568, %mul3A_618 : vector<16xf32>
        scf.yield %add3A_583, %add3A_586, %add3A_589, %add3A_592, %add3A_595, %add3A_598, %add3A_601, %add3A_604, %add3A_607, %add3A_610, %add3A_613, %add3A_616, %add3A_619 : vector<16xf32>, vector<16xf32>, vector<16xf32>, vector<16xf32>, vector<16xf32>, vector<16xf32>, vector<16xf32>, vector<16xf32>, vector<16xf32>, vector<16xf32>, vector<16xf32>, vector<16xf32>, vector<16xf32>
      }
      %scan3A_349 = arith.constant 16 : i32
      %mul3A_350 = arith.constant 200 : i32
      %mul3A_351 = arith.muli %add3A_339, %mul3A_350 : i32
      %add3A_352 = arith.constant 0 : i32
      %add3A_353 = arith.addi %mul3A_351, %add3A_352 : i32
      %swap3A_354 = arith.index_cast %add3A_353 : i32 to index
      %swap3A_355 = tpu.vector_load %arg10[%swap3A_354] {strides = array<i32>} : memref<25608xf32, #tpu.memory_space<vmem>>, vector<16xf32>,
      tpu.vector_store %arg10[%swap3A_354], %scan3A_348#0 {strides = array<i32>} : memref<25608xf32, #tpu.memory_space<vmem>>, vector<16xf32>,
      %add3A_356 = arith.constant 16 : i32
      %add3A_357 = arith.addi %mul3A_351, %add3A_356 : i32
      %swap3A_358 = arith.index_cast %add3A_357 : i32 to index
      %swap3A_359 = tpu.vector_load %arg10[%swap3A_358] {strides = array<i32>} : memref<25608xf32, #tpu.memory_space<vmem>>, vector<16xf32>,
      tpu.vector_store %arg10[%swap3A_358], %scan3A_348#1 {strides = array<i32>} : memref<25608xf32, #tpu.memory_space<vmem>>, vector<16xf32>,
      %add3A_360 = arith.constant 32 : i32
      %add3A_361 = arith.addi %mul3A_351, %add3A_360 : i32
      %swap3A_362 = arith.index_cast %add3A_361 : i32 to index
      %swap3A_363 = tpu.vector_load %arg10[%swap3A_362] {strides = array<i32>} : memref<25608xf32, #tpu.memory_space<vmem>>, vector<16xf32>,
      tpu.vector_store %arg10[%swap3A_362], %scan3A_348#2 {strides = array<i32>} : memref<25608xf32, #tpu.memory_space<vmem>>, vector<16xf32>,
      %add3A_364 = arith.constant 48 : i32
      %add3A_365 = arith.addi %mul3A_351, %add3A_364 : i32
      %swap3A_366 = arith.index_cast %add3A_365 : i32 to index
      %swap3A_367 = tpu.vector_load %arg10[%swap3A_366] {strides = array<i32>} : memref<25608xf32, #tpu.memory_space<vmem>>, vector<16xf32>,
      tpu.vector_store %arg10[%swap3A_366], %scan3A_348#3 {strides = array<i32>} : memref<25608xf32, #tpu.memory_space<vmem>>, vector<16xf32>,
      %add3A_368 = arith.constant 64 : i32
      %add3A_369 = arith.addi %mul3A_351, %add3A_368 : i32
      %swap3A_370 = arith.index_cast %add3A_369 : i32 to index
      %swap3A_371 = tpu.vector_load %arg10[%swap3A_370] {strides = array<i32>} : memref<25608xf32, #tpu.memory_space<vmem>>, vector<16xf32>,
      tpu.vector_store %arg10[%swap3A_370], %scan3A_348#4 {strides = array<i32>} : memref<25608xf32, #tpu.memory_space<vmem>>, vector<16xf32>,
      %add3A_372 = arith.constant 80 : i32
      %add3A_373 = arith.addi %mul3A_351, %add3A_372 : i32
      %swap3A_374 = arith.index_cast %add3A_373 : i32 to index
      %swap3A_375 = tpu.vector_load %arg10[%swap3A_374] {strides = array<i32>} : memref<25608xf32, #tpu.memory_space<vmem>>, vector<16xf32>,
      tpu.vector_store %arg10[%swap3A_374], %scan3A_348#5 {strides = array<i32>} : memref<25608xf32, #tpu.memory_space<vmem>>, vector<16xf32>,
      %add3A_376 = arith.constant 96 : i32
      %add3A_377 = arith.addi %mul3A_351, %add3A_376 : i32
      %swap3A_378 = arith.index_cast %add3A_377 : i32 to index
      %swap3A_379 = tpu.vector_load %arg10[%swap3A_378] {strides = array<i32>} : memref<25608xf32, #tpu.memory_space<vmem>>, vector<16xf32>,
      tpu.vector_store %arg10[%swap3A_378], %scan3A_348#6 {strides = array<i32>} : memref<25608xf32, #tpu.memory_space<vmem>>, vector<16xf32>,
      %add3A_380 = arith.constant 112 : i32
      %add3A_381 = arith.addi %mul3A_351, %add3A_380 : i32
      %swap3A_382 = arith.index_cast %add3A_381 : i32 to index
      %swap3A_383 = tpu.vector_load %arg10[%swap3A_382] {strides = array<i32>} : memref<25608xf32, #tpu.memory_space<vmem>>, vector<16xf32>,
      tpu.vector_store %arg10[%swap3A_382], %scan3A_348#7 {strides = array<i32>} : memref<25608xf32, #tpu.memory_space<vmem>>, vector<16xf32>,
      %add3A_384 = arith.constant 128 : i32
      %add3A_385 = arith.addi %mul3A_351, %add3A_384 : i32
      %swap3A_386 = arith.index_cast %add3A_385 : i32 to index
      %swap3A_387 = tpu.vector_load %arg10[%swap3A_386] {strides = array<i32>} : memref<25608xf32, #tpu.memory_space<vmem>>, vector<16xf32>,
      tpu.vector_store %arg10[%swap3A_386], %scan3A_348#8 {strides = array<i32>} : memref<25608xf32, #tpu.memory_space<vmem>>, vector<16xf32>,
      %add3A_388 = arith.constant 144 : i32
      %add3A_389 = arith.addi %mul3A_351, %add3A_388 : i32
      %swap3A_390 = arith.index_cast %add3A_389 : i32 to index
      %swap3A_391 = tpu.vector_load %arg10[%swap3A_390] {strides = array<i32>} : memref<25608xf32, #tpu.memory_space<vmem>>, vector<16xf32>,
      tpu.vector_store %arg10[%swap3A_390], %scan3A_348#9 {strides = array<i32>} : memref<25608xf32, #tpu.memory_space<vmem>>, vector<16xf32>,
      %add3A_392 = arith.constant 160 : i32
      %add3A_393 = arith.addi %mul3A_351, %add3A_392 : i32
      %swap3A_394 = arith.index_cast %add3A_393 : i32 to index
      %swap3A_395 = tpu.vector_load %arg10[%swap3A_394] {strides = array<i32>} : memref<25608xf32, #tpu.memory_space<vmem>>, vector<16xf32>,
      tpu.vector_store %arg10[%swap3A_394], %scan3A_348#10 {strides = array<i32>} : memref<25608xf32, #tpu.memory_space<vmem>>, vector<16xf32>,
      %add3A_396 = arith.constant 176 : i32
      %add3A_397 = arith.addi %mul3A_351, %add3A_396 : i32
      %swap3A_398 = arith.index_cast %add3A_397 : i32 to index
      %swap3A_399 = tpu.vector_load %arg10[%swap3A_398] {strides = array<i32>} : memref<25608xf32, #tpu.memory_space<vmem>>, vector<16xf32>,
      tpu.vector_store %arg10[%swap3A_398], %scan3A_348#11 {strides = array<i32>} : memref<25608xf32, #tpu.memory_space<vmem>>, vector<16xf32>,
      %add3A_400 = arith.constant 192 : i32
      %add3A_401 = arith.addi %mul3A_351, %add3A_400 : i32
      %swap3A_402 = arith.index_cast %add3A_401 : i32 to index
      %swap3A_403 = tpu.vector_load %arg10[%swap3A_402] {strides = array<i32>} : memref<25608xf32, #tpu.memory_space<vmem>>, vector<16xf32>,
      tpu.vector_store %arg10[%swap3A_402], %scan3A_348#12 {strides = array<i32>} : memref<25608xf32, #tpu.memory_space<vmem>>, vector<16xf32>,
    }
    %scan3A_184 = arith.constant 64 : i32
    %mul3A_185 = arith.constant 128 : i32
    %mul3A_186 = arith.muli %add3A, %mul3A_185 : i32
    %mul3A_187 = arith.constant 200 : i32
    %mul3A_188 = arith.muli %mul3A_186, %mul3A_187 : i32
    "tpu.region"() ({
      %run_scoped3A = tpu.sem_alloc : memref<!tpu.dma_semaphore, #tpu.memory_space<semaphore_mem>>
      %dma_start3A_189 = arith.constant 0 : i32
      %dma_start3A_190 = tpu.memref_slice %arg10[%dma_start3A_189] : memref<25608xf32, #tpu.memory_space<vmem>> -> memref<25600xf32, #tpu.memory_space<vmem>>
      %dma_start3A_191 = tpu.memref_slice %arg5[%mul3A_188] : memref<819200xf32, #tpu.memory_space<hbm>> -> memref<25600xf32, #tpu.memory_space<hbm>>
      %dma_start3A_192 = tpu.memref_slice %arg5[%mul3A_188] : memref<819200xf32, #tpu.memory_space<hbm>> -> memref<25600xf32, #tpu.memory_space<hbm>>
      %dma_start3A_193 = arith.constant 0 : i32
      %dma_start3A_194 = tpu.memref_slice %arg10[%dma_start3A_193] : memref<25608xf32, #tpu.memory_space<vmem>> -> memref<25600xf32, #tpu.memory_space<vmem>>
      tpu.enqueue_dma source(%dma_start3A_194 : memref<25600xf32, #tpu.memory_space<vmem>>) target(%dma_start3A_192 : memref<25600xf32, #tpu.memory_space<hbm>>) target_semaphore(%run_scoped3A : memref<!tpu.dma_semaphore, #tpu.memory_space<semaphore_mem>>)
      %dma_wait3A = arith.constant 0 : i32
      %dma_wait3A_195 = tpu.memref_slice %arg10[%dma_wait3A] : memref<25608xf32, #tpu.memory_space<vmem>> -> memref<25600xf32, #tpu.memory_space<vmem>>
      %dma_wait3A_196 = tpu.memref_slice %arg5[%mul3A_188] : memref<819200xf32, #tpu.memory_space<hbm>> -> memref<25600xf32, #tpu.memory_space<hbm>>
      %dma_wait3A_197 = tpu.memref_slice %arg5[%mul3A_188] : memref<819200xf32, #tpu.memory_space<hbm>> -> memref<25600xf32, #tpu.memory_space<hbm>>
      %dma_wait3A_198 = arith.constant 0 : i32
      %dma_wait3A_199 = tpu.memref_slice %arg10[%dma_wait3A_198] : memref<25608xf32, #tpu.memory_space<vmem>> -> memref<25600xf32, #tpu.memory_space<vmem>>
      tpu.wait_dma2 semaphore(%run_scoped3A : memref<!tpu.dma_semaphore, #tpu.memory_space<semaphore_mem>>) src(%dma_wait3A_199 : memref<25600xf32, #tpu.memory_space<vmem>>) dst(%dma_wait3A_197 : memref<25600xf32, #tpu.memory_space<hbm>>)
      tpu.yield
    }) : () -> ()
    return
  }
}

</mosaic_0001>

<sc_bundles>
// kernel: _embedding_dot.3.cloned.1.call-start
scs
__scs_entry_jumppad:
0x0: {  	(pc) =	sbr.rel $0x88, $3  }
0x1: {  	(tag) =	ssettag $0x0;
	lr =	simm.s32 $0x1  }
0x2: {  	[smem:$0x3F9E] =	sst lr;
	_ =	strace $0xD0000000  }
0x3: {  	_ = 	snop  }
0x4: {  	_ = 	snop  }
0x5: {  	_ = 	snop  }
0x6: {  	_ = 	snop  }
0x7: {  	_ = 	snop  }
__scs_overlays_trampoline_lowered:
0x8: {  	[smem:$0x3FAD] =	sst s0  }
0x9: {  	[smem:$0x3FAE] =	sst s1  }
0xa: {  	[smem:$0x3FAF] =	sst s2  }
0xb: {  	[smem:$0x3FB0] =	sst s3  }
0xc: {  	[smem:$0x3FB1] =	sst s4  }
0xd: {  	[smem:$0x3FB2] =	sst s5  }
0xe: {  	[smem:$0x3FB3] =	sst s6  }
0xf: {  	[smem:$0x3FB4] =	sst s7  }
0x10: {  	[smem:$0x3FB5] =	sst s8  }
0x11: {  	[smem:$0x3FB6] =	sst s9;
	s0 =	simm.s32 @!p0 $0x0  }
0x12: {  	s1 =	sld [smem:$0x3F9C];
	s0 =	simm.s32 @p0 $0x1  }
0x13: {  	[smem:$0x3FB7] =	sst s0;
	s0 =	simm.s32 @!p1 $0x0  }
0x14: {  	s2 =	sld [smem:$0x3F9B];
	s0 =	simm.s32 @p1 $0x1  }
0x15: {  	[smem:$0x3FB8] =	sst s0;
	s0 =	simm.s32 @!p2 $0x0  }
0x16: {  	s3 =	sld [smem:$0x3FDB];
	s0 =	simm.s32 @p2 $0x1  }
0x17: {  	s4 =	simm.s32 $0x1BF5;
	[smem:$0x3FBA] =	sst s0  }
0x18: {  	s0 =	sld [smem:$0x3F9D];
	_ =	swait.ge [sflag:s4], $0x0  }
0x19: {  	s7 =	sld [smem:$0x3F9E]  }
0x1a: {  	s8 =	sadd.s32 $0xFFFFE003, lr  }
0x1b: {  	s9 =	sadd.s32 $0xFFFFFEF7, lr;
	s5 =	simm.s32 $0xFFFFFFFF;
	p2 =	slt.u32 s8, $0xFFFFF086  }
0x1c: {  	p1 =	slt.u32 s9, $0xF7A;
	s5 =	simm.s32 @!p2 $0x0  }
0x1d: {  	s5 =	simm.s32 @p1 $0x1;
	p0 =	seq.s32 s7, s2  }
0x1e: {  	s7 =	smul.u32 @!p0 $0xF7A, s2;
	p2 =	seq.s32 @!p0 s5, $0x0  }
0x1f: {  	s9 =	smul.u32 $0xF7A, s1;
	s8 =	simm.s32 @!p0 $0x1BF5;
	p2 =	por !p2, p0  }
0x20: {  	[sflag:s8] =	ssyncset.s32 @!p0 $0xFFFFF086;
	s6 =	sadd.s32 @!p0 s3, s7;
	s7 =	simm.s32 @!p0 $0x108  }
0x21: {  	s3 =	sadd.s32 s3, s9;
	s6 =	sadd.s32 @!p0 $0x88, s6;
	s7 =	simm.s32 @p2 $0x1082  }
0x22: {  	[simem:s7], [sflag:s8] =	dma.local @!p0 [hbm:s6], $0xF7A  }
0x23: {  	s9 =	sor.u32 $0xD0000000, s2;
	s6 =	simm.s32 $0x108;
	_ =	swait.ge @!p0 [sflag:s8], $0x0  }
0x24: {  	s3 =	sadd.s32 $0x88, s3;
	s6 =	simm.s32 @!p1 $0x1082;
	[sflag:s4] =	ssyncset.s32 $0xFFFFF086  }
0x25: {  	[simem:s6], [sflag:s4] =	dma.local [hbm:s3], $0xF7A  }
0x26: {  	[smem:$0x3F9E] =	sst s1;
	(tag) =	ssettag s2;
	_ =	strace s9  }
0x27: {  	s1 =	sld [smem:$0x3FAE]  }
0x28: {  	s2 =	sld [smem:$0x3FAF]  }
0x29: {  	s4 =	sld [smem:$0x3FB1]  }
0x2a: {  	p0 =	seq.s32 s5, $0x0;
	s5 =	sld [smem:$0x3FB2]  }
0x2b: {  	s6 =	sld [smem:$0x3FB3]  }
0x2c: {  	s7 =	sld [smem:$0x3FB4]  }
0x2d: {  	s3 =	simm.s32 $0x108;
	s8 =	sld [smem:$0x3FB5]  }
0x2e: {  	s3 =	simm.s32 @!p0 $0x1082;
	s9 =	sld [smem:$0x3FB6]  }
0x2f: {  	lr =	sadd.s32 s0, s3;
	s0 =	sld [smem:$0x3FAD]  }
0x30: {  	s3 =	sld [smem:$0x3FB0]  }
0x31: {  	[smem:$0x3FB9] =	sst s10  }
0x32: {  	s10 =	sld [smem:$0x3FB7];
	_ =	sdelay $0x3  }
0x33: {  	p0 =	seq.s32 s10, $0x1;
	s10 =	sld [smem:$0x3FB9];
	_ =	sdelay $0x3  }
0x34: {  	[smem:$0x3FB9] =	sst s10  }
0x35: {  	s10 =	sld [smem:$0x3FB8];
	_ =	sdelay $0x3  }
0x36: {  	p1 =	seq.s32 s10, $0x1;
	s10 =	sld [smem:$0x3FB9];
	_ =	sdelay $0x3  }
0x37: {  	[smem:$0x3FB9] =	sst s10  }
0x38: {  	s10 =	sld [smem:$0x3FBA]  }
0x39: {  	_ = 	snop;
	(pc) =	sbr.ind lr, $3  }
0x3a: {  	_ = 	snop  }
0x3b: {  	_ = 	snop  }
0x3c: {  	p2 =	seq.s32 s10, $0x1;
	s10 =	sld [smem:$0x3FB9]  }
0x3d: {  	_ =	shalt  }
0x3e: {  	_ =	shalt  }
0x3f: {  	_ =	shalt  }
0x40: {  	_ =	shalt  }
0x41: {  	_ =	shalt  }
0x42: {  	_ =	shalt  }
0x43: {  	_ =	shalt  }
0x44: {  	_ =	shalt  }
0x45: {  	_ =	shalt  }
0x46: {  	_ =	shalt  }
0x47: {  	_ =	shalt  }
0x48: {  	_ =	shalt  }
0x49: {  	_ =	shalt  }
0x4a: {  	_ =	shalt  }
0x4b: {  	_ =	shalt  }
0x4c: {  	_ =	shalt  }
0x4d: {  	_ =	shalt  }
0x4e: {  	_ =	shalt  }
0x4f: {  	_ =	shalt  }
0x50: {  	_ =	shalt  }
0x51: {  	_ =	shalt  }
0x52: {  	_ =	shalt  }
0x53: {  	_ =	shalt  }
0x54: {  	_ =	shalt  }
0x55: {  	_ =	shalt  }
0x56: {  	_ =	shalt  }
0x57: {  	_ =	shalt  }
0x58: {  	_ =	shalt  }
0x59: {  	_ =	shalt  }
0x5a: {  	_ =	shalt  }
0x5b: {  	_ =	shalt  }
0x5c: {  	_ =	shalt  }
0x5d: {  	_ =	shalt  }
0x5e: {  	_ =	shalt  }
0x5f: {  	_ =	shalt  }
0x60: {  	_ =	shalt  }
0x61: {  	_ =	shalt  }
0x62: {  	_ =	shalt  }
0x63: {  	_ =	shalt  }
0x64: {  	_ =	shalt  }
0x65: {  	_ =	shalt  }
0x66: {  	_ =	shalt  }
0x67: {  	_ =	shalt  }
0x68: {  	_ =	shalt  }
0x69: {  	_ =	shalt  }
0x6a: {  	_ =	shalt  }
0x6b: {  	_ =	shalt  }
0x6c: {  	_ =	shalt  }
0x6d: {  	_ =	shalt  }
0x6e: {  	_ =	shalt  }
0x6f: {  	_ =	shalt  }
0x70: {  	_ =	shalt  }
0x71: {  	_ =	shalt  }
0x72: {  	_ =	shalt  }
0x73: {  	_ =	shalt  }
0x74: {  	_ =	shalt  }
0x75: {  	_ =	shalt  }
0x76: {  	_ =	shalt  }
0x77: {  	_ =	shalt  }
0x78: {  	_ =	shalt  }
0x79: {  	_ =	shalt  }
0x7a: {  	_ =	shalt  }
0x7b: {  	_ =	shalt  }
0x7c: {  	_ =	shalt  }
0x7d: {  	_ =	shalt  }
0x7e: {  	_ =	shalt  }
0x7f: {  	_ =	shalt  }
0x80: {  	_ =	shalt  }
0x81: {  	_ =	shalt  }
0x82: {  	_ =	shalt  }
0x83: {  	_ =	shalt  }
0x84: {  	_ =	shalt  }
0x85: {  	_ =	shalt  }
0x86: {  	_ =	shalt  }
0x87: {  	_ =	shalt  }
.Lfunc_end0:
.L_simem_size_0:
called_computation_lowered:
.L_overlay_start_0:
0x88: {  	s2 =	sld [smem:$0x3FD9]  }
0x89: {  	s3 =	sld [smem:$0x3FFE];
	_ =	sdelay $0x1  }
0x8a: {  	s1 =	srdreg.scid  }
0x8b: {  	s0 =	sand.u32 $0x1, s1  }
0x8c: {  	s17 =	sshll.u32 s0, $0xA;
	s2 =	sadd.s32 s3, s2  }
0x8d: {  	s2 =	sadd.s32 s2, s17  }
0x8e: {  	[smem:$0x3FC5] =	sst s2  }
0x8f: {  	_ = 	snop  }
0x90: {  	s2 =	sld [smem:$0x3FC9]  }
0x91: {  	s18 =	sld [smem:$0x3FC7]  }
0x92: {  	s4 =	sld [smem:$0x3FD0];
	(tm) =	ssettm $0x1  }
0x93: {  	s5 =	sld [smem:$0x3FFB];
	_ =	sdelay $0x3  }
0x94: {  	_ =	strace s5  }
0x95: {  	s5 =	sld [smem:$0x3FFC];
	_ =	sdelay $0x3  }
0x96: {  	_ =	strace s5  }
0x97: {  	s5 =	sld [smem:$0x3FFD];
	_ =	sdelay $0x3  }
0x98: {  	_ =	strace s5  }
0x99: {  	_ =	strace $0x8FFFFFFF  }
0x9a: {  	s19 =	sld [smem:$0x3FDB];
	_ =	sdelay $0x1  }
0x9b: {  	s6 =	simm.s32 $_scs_section_size  }
0x9c: {  	s7 =	simm.s32 $_size__tile_overlayer_lowered;
	s8 =	simm.s32 $_tile_overlayer_lowered  }
0x9d: {  	s22 =	simm.s32 $0x1BFF;
	s21 =	sshll.u32 s8, $0x1;
	s5 =	sadd.s32 s6, s19  }
0x9e: {  	s9 =	simm.s32 $0x0;
	s20 =	sshll.u32 s7, $0x1;
	s7 =	sadd.s32 s21, s5  }
0x9f: {  	[timem:s9], [sflag:s22] =	dma.local [hbm:s7], s20  }
0xa0: {  	_ =	swait.ge [sflag:s22], s20  }
0xa1: {  	s6 =	ssub.s32 $0x0, s20;
	[sflag:s22] =	ssyncset.done $0x0  }
0xa2: {  	[sflag:s22] =	ssyncadd.s32 s6;
	_ =	sdelay $0x1  }
0xa3: {  	s23 =	simm.s32 $0x1B8B  }
0xa4: {  	_ =	swait.ge [sflag:s23], $0x1  }
0xa5: {  	[sflag:s23] =	ssyncset.done $0x0  }
0xa6: {  	s25 =	simm.s32 $0x1B8E;
	s24 =	sld [smem:$0x3FFE];
	[sflag:s23] =	ssyncadd.s32 $0xFFFFFFFF  }
0xa7: {  	s26 =	simm.s32 $execute0_lowered;
	[smem:$0x3FD2] =	sst s25  }
0xa8: {  	s7 =	sshll.u32 s26, $0x1;
	_ =	strace $0x80000046;
	[dreg:$0x1] =	wrdreg $0xFFFFFFFF  }
0xa9: {  	s28 =	simm.s32 $_size_execute0_lowered;
	s5 =	sadd.s32 s5, s7;
	[dreg:$0x0] =	wrdreg $0x0  }
0xaa: {  	s7 =	sshll.u32 s28, $0x1;
	[dreg:$0x2] =	wrdreg s5  }
0xab: {  	[dreg:$0x3] =	wrdreg s7  }
0xac: {  	[dreg:$0x4] =	wrdreg $0xC0  }
0xad: {  	_ =	task [dreg:s9], $0x5FFFF  }
0xae: {  	[dreg:$0x1] =	wrdreg $0xFFFFFFFF  }
0xaf: {  	[dreg:$0x0] =	wrdreg $0x60  }
0xb0: {  	[dreg:$0x2] =	wrdreg s2  }
0xb1: {  	[dreg:$0x3] =	wrdreg s24  }
0xb2: {  	[dreg:$0x4] =	wrdreg s18  }
0xb3: {  	[dreg:$0x5] =	wrdreg s4  }
0xb4: {  	[dreg:$0x6] =	wrdreg $0x9  }
0xb5: {  	_ =	task.clear_ibuf [dreg:s9], $0x7FFFF;
	_ =	strace $0x90000046  }
0xb6: {  	s29 =	simm.s32 $0x9;
	_ =	strace $0x80000048  }
0xb7: {  	_ =	swait.ge [sflag:s29], $0x1  }
0xb8: {  	[sflag:s29] =	ssyncadd.s32 $0xFFFFFFFF  }
0xb9: {  	_ =	strace $0x90000048  }
0xba: {  	_ =	sfence  }
0xbb: {  	s30 =	sld [smem:$0x0];
	_ =	sdelay $0x2  }
0xbc: {  	s31 =	sshll.u32 s1, $0xD;
	s1 =	sshrl.u32 s1, $0x2  }
0xbd: {  	s3 =	sand.u32 $0x4000, s31;
	s1 =	sadd.s32 s1, s30  }
0xbe: {  	s0 =	sor.u32 s3, s0;
	s1 =	sshll.u32 s1, $0x11  }
0xbf: {  	s0 =	sor.u32 s1, s0  }
0xc0: {  	s0 =	sadd.s32 $0x8F2B, s0  }
0xc1: {  	[sflag:s0] =	ssyncadd.remote.s32 $0x1  }
0xc2: {  	_ =	sfence.sel $0xFFFF  }
0xc3: {  	[dreg:$0x0] =	wrdreg $0xFFFFFFFF;
	(pc) =	sbr.abs _section_cstart, $3  }
0xc4: {  	[dreg:$0x1] =	wrdreg $0xFFFFFFFF  }
0xc5: {  	_ =	task.clear_ibuf [dreg:s9], $0x2FFFF;
	_ =	strace $0x9FFFFFFF  }
0xc6: {  	(tm) =	ssettm $0x7FFFFFFF  }
0xc7: {  	_ =	shalt  }
tec
execute0_lowered:
.L_overlay_start_1:
0x0: {  	(tag) =	ssettag $0x1  }
0x1: {  	s4 =	rddreg [dreg:$0x0]  }
0x2: {  	v0 =	vimm.s32 $0x3980;
	vm0 =	vcmask $0x300;
	s5 =	rddreg [dreg:$0x1]  }
0x3: {  	vm14 =	vcmask $0x704;
	s1 =	rddreg [dreg:$0x2];
	v29 =	vlaneseq.u32;
	v0 =	vsel vm0, $0x3000, v0  }
0x4: {  	vm15 =	vcmask $0xB08;
	s6 =	rddreg [dreg:$0x3];
	s3 =	simm.s32 $0x0;
	v23 =	vmul.u32 $0x80, v29;
	v0 =	vsel vm14, $0x3080, v0  }
0x5: {  	vm4 =	vcmask $0xF0C;
	[smem:$0x7FF] =	sst s3;
	v0 =	vsel vm15, $0x3100, v0  }
0x6: {  	vm5 =	vcmask $0x1310;
	s0 =	rddreg [dreg:$0x4];
	_ =	strace $0x80000047;
	v35 =	vadd.s32 $0x3A00, v23;
	[tilespmem:$0x1FF50] =	vst v23;
	v0 =	vsel vm4, $0x3180, v0  }
0x7: {  	vm6 =	vcmask $0x1714;
	v33 =	vor.u32 $0x2800, v23;
	[tilespmem:$0x1FF30] =	vst v35;
	v0 =	vsel vm5, $0x3400, v0  }
0x8: {  	vm7 =	vcmask $0x1B18;
	v25 =	vor.u32 $0x800, v23;
	[tilespmem:$0x1FF40] =	vst v33;
	v0 =	vsel vm6, $0x3480, v0  }
0x9: {  	s7 =	srdreg.scid;
	vm8 =	vcmask $0x1F1C;
	v36 =	vadd.s32 $0x4A00, v23;
	[tilespmem:$0x1FF60] =	vst v25;
	v0 =	vsel vm7, $0x3500, v0  }
0xa: {  	s2 =	stileid.u32;
	vm9 =	vcmask $0x2320;
	s12 =	simm.s32 $0x2080;
	s13 =	simm.s32 $0xD400;
	v14 =	vadd.s32 $0x5A00, v23;
	[tilespmem:$0x1FF70] =	vst v36;
	v0 =	vsel vm8, $0x3580, v0  }
0xb: {  	vm10 =	vcmask $0x2724;
	s14 =	simm.s32 $0x10C00;
	s15 =	simm.s32 $0x14000;
	s16 =	simm.s32 $0x1;
	v31 =	vor.u32 $0x2000, v23;
	[tilespmem:$0x1FF80] =	vst v14;
	v0 =	vsel vm9, $0x3600, v0  }
0xc: {  	vm11 =	vcmask $0x2B28;
	s17 =	simm.s32 $0x2;
	s7 =	sand.u32 $0x1, s7;
	s8 =	sshll.u32 s2, $0x1;
	v32 =	vadd.s32 $0x5200, v23;
	[tilespmem:$0x1FFA0] =	vst v31;
	v0 =	vsel vm10, $0x3680, v0  }
0xd: {  	vm12 =	vcmask $0x2F2C;
	s18 =	simm.s32 $0x17800;
	s8 =	sor.u32 s7, s8;
	s7 =	ssub.s32 $0x2, s7;
	v34 =	vadd.s32 $0x6200, v23;
	[tilespmem:$0x1FFB0] =	vst v32;
	v0 =	vsel vm11, $0x3700, v0  }
0xe: {  	vm13 =	vcmask $0x3330;
	s19 =	simm.s32 $0x0;
	s9 =	sshll.u32 s8, $0xC;
	s10 =	sshrl.u32 s7, $0x1;
	v30 =	vor.u32 $0x1800, v23;
	[tilespmem:$0x1FFC0] =	vst v34;
	v0 =	vsel vm12, $0x3780, v0  }
0xf: {  	vm14 =	vcmask $0x3734;
	s11 =	sshll.u32 s8, $0xA;
	s8 =	smul.u32 $0xC80, s8;
	v48 =	vadd.s32 $0x4200, v23;
	s5 =	sadd.s32 s9, s5;
	[tilespmem:$0x1FFD0] =	vst v30;
	v0 =	vsel vm13, $0x3800, v0  }
0x10: {  	v27 =	vor.u32 $0x1000, v23;
	vm15 =	vcmask $0x3B38;
	s7 =	ssub.s32 s7, s10;
	s4 =	sadd.s32 s4, s11;
	s9 =	simm.s32 $0x2000;
	[tilespmem:$0x1FFE0] =	vst v48;
	v0 =	vsel vm14, $0x3880, v0  }
0x11: {  	s10 =	simm.s32 $0x64;
	s11 =	simm.s32 $0xA000;
	[tilespmem:$0x1FFF0] =	vst v27;
	s5 =	sadd.s32 $0x400, s5;
	v21 =	vsel vm15, $0x3900, v0  }
0x12: {  	s6 =	sadd.s32 s6, s8;
	s7 =	smax.u32 s7, $0x1;
	s8 =	simm.s32 $0x3;
	[tilespmem:$0x1FF90] =	vst v21  }
.LBB2_1:
0x13: {  	[tilespmem:s3], [sflag:$0x3] =	stream.linear.gather [hbm4b:s4+s3], $0x2000, $0x38;
	[tilespmem:$0x1DC80] =	vst v63  }
0x14: {  	_ =	swait.ge [sflag:s8], $0x2000  }
0x15: {  	[sflag:s8] =	ssyncset.done $0x0  }
0x16: {  	[sflag:s8] =	ssyncadd.s32 $0xFFFFE000  }
0x17: {  	[tilespmem:s9], [sflag:$0x3] =	stream.linear.gather [hbm4b:s5+s3], $0x8000, $0x38;
	[tilespmem:$0x1DC80] =	vst v63  }
0x18: {  	_ =	swait.ge [sflag:s8], $0x8000  }
0x19: {  	[sflag:s8] =	ssyncset.done $0x0  }
0x1a: {  	[sflag:s8] =	ssyncadd.s32 $0xFFFF8000  }
0x1b: {  	[tilespmem:s11], [sflag:$0x1] =	stream.indirect.gather [hbm4b:s1+s10], $0x80, s9, s10, $0xb8;
	[tilespmem:$0x1DC80] =	vst v63  }
0x1c: {  	s20 =	simm.s32 $0x0  }
0x1d: {  	[tilespmem:s13], [sflag:$0x1] =	stream.indirect.gather [hbm4b:s1+s10], $0x80, s12, s10, $0xb8;
	[tilespmem:$0x1DC80] =	vst v63  }
.LBB2_2:
0x1e: {  	s21 =	sshllo.u32 s20, $0x1  }
0x1f: {  	s22 =	sshll.u32 s21, $0x8  }
0x20: {  	s22 =	sand.u32 $0x3FFFFF00, s22  }
0x21: {  	s23 =	sadd.s32 $0x2000, s22  }
0x22: {  	[tilespmem:s14], [sflag:$0x2] =	stream.indirect.gather [hbm4b:s1+s10], $0x80, s23, s10, $0xb8;
	[tilespmem:$0x1DC80] =	vst v63  }
0x23: {  	s26 =	simm.s32 $0x1;
	s28 =	sshll.u32 s20, $0x7;
	s22 =	sadd.s32 $0x2080, s22  }
0x24: {  	v0 =	vadd.s32 s26, v29;
	[tilespmem:s15], [sflag:$0x2] =	stream.indirect.gather [hbm4b:s1+s10], $0x80, s22, s10, $0xb8;
	[tilespmem:$0x1DC80] =	vst v63  }
0x25: {  	v39 =	vmov s28;
	v2 =	vand.u32 $0x3F, v0;
	_ =	swait.ge [sflag:s16], $0x3200  }
0x26: {  	v0 =	vor.u32 v39, v2;
	[sflag:s16] =	ssyncset.done $0x0  }
0x27: {  	v1 =	vor.u32 v34, v2;
	[sflag:s16] =	ssyncadd.s32 $0xFFFFCE00  }
0x28: {  	s29 =	simm.s32 $0x2;
	v3 =	vor.u32 v35, v2;
	_ =	swait.ge [sflag:s16], $0x3200  }
0x29: {  	v5 =	vadd.s32 s29, v29;
	v4 =	vor.u32 v23, v2;
	[sflag:s16] =	ssyncset.done $0x0  }
0x2a: {  	v7 =	vand.u32 $0x3F, v5;
	v6 =	vor.u32 v36, v2;
	[sflag:s16] =	ssyncadd.s32 $0xFFFFCE00  }
0x2b: {  	v5 =	vor.u32 v23, v7;
	v50 =	vld.idx.msk [tilespmem:v0+s3+$0x0], $0xffff  }
0x2c: {  	v8 =	vor.u32 v25, v2;
	v1 =	vld.idx.msk [tilespmem:v1+s11+$0x0], $0xffff  }
0x2d: {  	v9 =	vor.u32 v34, v7;
	v3 =	vld.idx.msk [tilespmem:v3+s11+$0x0], $0xffff  }
0x2e: {  	v10 =	vor.u32 v33, v2;
	v4 =	vld.idx.msk [tilespmem:v4+s11+$0x0], $0xffff  }
0x2f: {  	v11 =	vor.u32 v25, v7;
	v6 =	vld.idx.msk [tilespmem:v6+s11+$0x0], $0xffff  }
0x30: {  	v0 =	vor.u32 v39, v7;
	v5 =	vld.idx.msk [tilespmem:v5+s11+$0x0], $0xffff  }
0x31: {  	v12 =	vor.u32 v30, v2;
	v8 =	vld.idx.msk [tilespmem:v8+s11+$0x0], $0xffff  }
0x32: {  	v13 =	vor.u32 v30, v7;
	v9 =	vld.idx.msk [tilespmem:v9+s11+$0x0], $0xffff  }
0x33: {  	v15 =	vor.u32 v14, v7;
	v10 =	vld.idx.msk [tilespmem:v10+s11+$0x0], $0xffff  }
0x34: {  	s30 =	simm.s32 $0x3;
	v17 =	vor.u32 v33, v7;
	v11 =	vld.idx.msk [tilespmem:v11+s11+$0x0], $0xffff  }
0x35: {  	v16 =	vadd.s32 s30, v29;
	v18 =	vld.idx.msk [tilespmem:v0+s3+$0x0], $0xffff;
	v0 =	vor.u32 v21, v7  }
0x36: {  	v37 =	vand.u32 $0x3F, v16;
	v19 =	vor.u32 v35, v7;
	v12 =	vld.idx.msk [tilespmem:v12+s11+$0x0], $0xffff  }
0x37: {  	v16 =	vor.u32 v39, v37;
	v20 =	vor.u32 v32, v2;
	v13 =	vld.idx.msk [tilespmem:v13+s11+$0x0], $0xffff  }
0x38: {  	v38 =	vor.u32 v30, v37;
	v24 =	vor.u32 v14, v2;
	v26 =	vor.u32 v23, v37;
	v15 =	vld.idx.msk [tilespmem:v15+s11+$0x0], $0xffff  }
0x39: {  	v28 =	vor.u32 v36, v7;
	v46 =	vor.u32 v36, v37;
	v17 =	vld.idx.msk [tilespmem:v17+s11+$0x0], $0xffff;
	v1 =	vmul.f32 v1, v50  }
0x3a: {  	v45 =	vor.u32 v32, v37;
	v42 =	vmul.f32 v3, v50;
	v3 =	vmul.f32 v4, v50;
	v0 =	vld.idx.msk [tilespmem:v0+s11+$0x0], $0xffff  }
0x3b: {  	v43 =	vor.u32 v31, v37;
	v4 =	vld.idx.msk [tilespmem:v19+s11+$0x0], $0xffff;
	v8 =	vmul.f32 v8, v50;
	[tilespmem:$0x1FE20] =	vst v1  }
0x3c: {  	v60 =	vor.u32 v48, v2;
	v22 =	vld.idx.msk [tilespmem:v16+s3+$0x0], $0xffff;
	v6 =	vmul.f32 v6, v50;
	[tilespmem:$0x1FE30] =	vst v3  }
0x3d: {  	v1 =	vor.u32 v14, v37;
	[tilespmem:$0x1FE60] =	vst v8;
	v8 =	vld.idx.msk [tilespmem:v38+s11+$0x0], $0xffff;
	v5 =	vmul.f32 v5, v18  }
0x3e: {  	v16 =	vor.u32 v21, v2;
	[tilespmem:$0x1FE40] =	vst v6;
	v40 =	vmul.f32 v9, v18;
	v9 =	vmul.f32 v10, v50  }
0x3f: {  	s31 =	simm.s32 $0x0;
	v55 =	vld.idx.msk [tilespmem:v24+s11+$0x0], $0xffff;
	v3 =	vor.u32 v33, v37;
	[tilespmem:$0x1FE50] =	vst v5;
	v0 =	vmul.f32 v0, v18  }
0x40: {  	v6 =	vld.idx.msk [tilespmem:v20+s11+$0x0], $0xffff;
	v4 =	vmul.f32 v4, v18;
	v5 =	vor.u32 v25, v37;
	[tilespmem:$0x1FE70] =	vst v9;
	v9 =	vadd.s32 s31, v29  }
0x41: {  	v10 =	vld.idx.msk [tilespmem:v26+s11+$0x0], $0xffff;
	v44 =	vmul.f32 v17, v18;
	[tilespmem:$0x1FE80] =	vst v0;
	v0 =	vand.u32 $0x3F, v9;
	v9 =	vmul.f32 v12, v50  }
0x42: {  	v1 =	vld.idx.msk [tilespmem:v1+s11+$0x0], $0xffff;
	[tilespmem:$0x1FED0] =	vst v4;
	v4 =	vmul.f32 v8, v22;
	v19 =	vor.u32 v33, v0  }
0x43: {  	v17 =	vld.idx.msk [tilespmem:v28+s11+$0x0], $0xffff;
	v47 =	vor.u32 v32, v0;
	[tilespmem:$0x1FE90] =	vst v9;
	v9 =	vmul.f32 v11, v18  }
0x44: {  	v3 =	vld.idx.msk [tilespmem:v3+s11+$0x0], $0xffff;
	[tilespmem:$0x1FEE0] =	vst v4;
	v4 =	vor.u32 v36, v0;
	v11 =	vmul.f32 v13, v18  }
0x45: {  	v56 =	vor.u32 v31, v7;
	v5 =	vld.idx.msk [tilespmem:v5+s11+$0x0], $0xffff;
	[tilespmem:$0x1FEA0] =	vst v9;
	v9 =	vor.u32 v39, v0  }
0x46: {  	v59 =	vimm.f32 $0.0e+00;
	v38 =	vmul.f32 v15, v18;
	v12 =	vld.idx.msk [tilespmem:v16+s11+$0x0], $0xffff;
	[tilespmem:$0x1FEC0] =	vst v11;
	v11 =	vor.u32 v23, v0  }
0x47: {  	v36 =	vmul.f32 v1, v22;
	v1 =	vmul.f32 v55, v50;
	v13 =	vor.u32 v35, v0;
	v61 =	vld.idx.msk [tilespmem:v19+s11+$0x0], $0xffff  }
0x48: {  	v51 =	vmul.f32 v17, v18;
	v52 =	vmul.f32 v10, v22;
	v15 =	vor.u32 v27, v0;
	v62 =	vld.idx.msk [tilespmem:v47+s11+$0x0], $0xffff  }
0x49: {  	v49 =	vimm.f32 $0.0e+00;
	v3 =	vmul.f32 v3, v22;
	v41 =	vor.u32 v48, v0;
	[tilespmem:$0x1FF10] =	vst v1;
	v1 =	vld.idx.msk [tilespmem:v4+s11+$0x0], $0xffff  }
0x4a: {  	v54 =	vor.u32 v25, v0;
	v16 =	vor.u32 v30, v0;
	v20 =	vor.u32 v31, v0;
	v33 =	vld.idx.msk [tilespmem:v9+s3+$0x0], $0xffff  }
0x4b: {  	[tilespmem:$0x1FEB0] =	vst v39;
	v30 =	vor.u32 v21, v0;
	v55 =	vimm.f32 $0.0e+00;
	v35 =	vor.u32 v48, v7;
	v8 =	vld.idx.msk [tilespmem:v11+s11+$0x0], $0xffff  }
0x4c: {  	[tilespmem:$0x1FEF0] =	vst v3;
	v48 =	vor.u32 v48, v37;
	v39 =	vimm.f32 $0.0e+00;
	v9 =	vor.u32 v14, v0;
	v11 =	vld.idx.msk [tilespmem:v13+s11+$0x0], $0xffff  }
0x4d: {  	v3 =	vmul.f32 v5, v22;
	v57 =	vmul.f32 v12, v50;
	v17 =	vld.idx.msk [tilespmem:v15+s11+$0x0], $0xffff;
	v13 =	vor.u32 v27, v2  }
0x4e: {  	v5 =	vmul.f32 v6, v50;
	v6 =	vor.u32 v27, v7;
	v47 =	vor.u32 v31, v2;
	v15 =	vld.idx.msk [tilespmem:v41+s11+$0x0], $0xffff  }
0x4f: {  	v19 =	vor.u32 v21, v37;
	v4 =	vor.u32 v32, v7;
	v7 =	vimm.f32 $0.0e+00;
	v10 =	vld.idx.msk [tilespmem:v20+s11+$0x0], $0xffff  }
0x50: {  	v41 =	vimm.f32 $0.0e+00;
	v20 =	vimm.f32 $0.0e+00;
	[tilespmem:$0x1FF00] =	vst v3;
	v3 =	vld.idx.msk [tilespmem:v16+s11+$0x0], $0xffff;
	v2 =	vmul.f32 v8, v33  }
0x51: {  	v14 =	vimm.f32 $0.0e+00;
	v16 =	vld.idx.msk [tilespmem:v9+s11+$0x0], $0xffff;
	v9 =	vmul.f32 v11, v33;
	v8 =	vor.u32 v34, v37  }
0x52: {  	v63 =	vld.idx.msk [tilespmem:v13+s11+$0x0], $0xffff;
	v13 =	vimm.f32 $0.0e+00;
	v11 =	vimm.f32 $0.0e+00;
	v53 =	vadd.f32 v2, v14  }
0x53: {  	s22 =	simm.s32 $0x4;
	v58 =	vld.idx.msk [tilespmem:v30+s11+$0x0], $0xffff;
	[tilespmem:$0x1FF20] =	vst v20;
	v12 =	vadd.f32 v9, v14;
	v9 =	vor.u32 v27, v37;
	v2 =	vimm.f32 $0.0e+00  }
.LBB2_3:
0x54: {  	_ = 	snop  }
0x55: {  	v62 =	vmul.f32 v62, v33  }
0x56: {  	v24 =	vld [tilespmem:$0x1FFC0]  }
0x57: {  	v26 =	vadd.f32 v62, v59;
	v62 =	vld.idx.msk [tilespmem:v4+s11+$0x0], $0xffff  }
0x58: {  	v4 =	vld [tilespmem:$0x1FE70]  }
0x59: {  	v61 =	vmul.f32 v61, v33;
	_ =	sdelay $0x1  }
0x5a: {  	v20 =	vor.u32 v24, v0;
	v0 =	vadd.f32 v61, v14;
	v14 =	vld [tilespmem:$0x1FE30];
	_ =	sdelay $0x1  }
0x5b: {  	v59 =	vmul.f32 v10, v33;
	v10 =	vadd.f32 v4, v0;
	v0 =	vld [tilespmem:$0x1FE50];
	_ =	sdelay $0x2  }
0x5c: {  	v30 =	vadd.f32 v14, v53;
	v14 =	vld [tilespmem:$0x1FF80]  }
0x5d: {  	s23 =	smov.u32 s22  }
0x5e: {  	s24 =	sadd.s32 $0x1, s23;
	v32 =	vadd.f32 v0, v30;
	v0 =	vlaneseq.u32  }
0x5f: {  	v16 =	vmul.f32 v16, v33;
	v4 =	vadd.s32 s24, v0  }
0x60: {  	v34 =	vld.idx.msk [tilespmem:v48+s11+$0x0], $0xffff;
	v1 =	vmul.f32 v1, v33;
	v48 =	vand.u32 $0x3F, v4  }
0x61: {  	v29 =	vld.idx.msk [tilespmem:v43+s11+$0x0], $0xffff;
	v4 =	vadd.f32 v16, v13;
	v16 =	vor.u32 v14, v48  }
0x62: {  	[tilespmem:$0x1FD70] =	vst v16;
	v16 =	vadd.f32 v1, v11;
	v1 =	vld [tilespmem:$0x1FE90]  }
0x63: {  	v3 =	vmul.f32 v3, v33  }
0x64: {  	v46 =	vld.idx.msk [tilespmem:v46+s11+$0x0], $0xffff  }
0x65: {  	v7 =	vadd.f32 v3, v7;
	_ =	sdelay $0x1  }
0x66: {  	v7 =	vadd.f32 v1, v7;
	v1 =	vmul.f32 v29, v22;
	_ =	sdelay $0x1  }
0x67: {  	[tilespmem:$0x1FDA0] =	vst v1;
	v1 =	vmul.f32 v46, v22  }
0x68: {  	v9 =	vld.idx.msk [tilespmem:v9+s11+$0x0], $0xffff  }
0x69: {  	[tilespmem:$0x1FDB0] =	vst v1;
	v1 =	vld [tilespmem:$0x1FEC0]  }
0x6a: {  	[tilespmem:$0x1FDE0] =	vst v36;
	v36 =	vld [tilespmem:$0x1FF30];
	_ =	sdelay $0x1  }
0x6b: {  	v3 =	vmul.f32 v58, v33  }
0x6c: {  	v19 =	vld.idx.msk [tilespmem:v19+s11+$0x0], $0xffff  }
0x6d: {  	v2 =	vadd.f32 v3, v2;
	v3 =	vld [tilespmem:$0x1FEB0];
	v7 =	vadd.f32 v1, v7;
	v1 =	vmul.f32 v9, v22  }
0x6e: {  	v8 =	vld.idx.msk [tilespmem:v8+s11+$0x0], $0xffff;
	v37 =	vor.u32 v36, v37  }
0x6f: {  	[tilespmem:$0x1FD80] =	vst v1;
	v1 =	vld [tilespmem:$0x1FE40];
	_ =	sdelay $0x2  }
0x70: {  	v13 =	vor.u32 v3, v48  }
0x71: {  	v58 =	vmul.f32 v19, v22;
	v19 =	vld.idx.msk [tilespmem:v37+s11+$0x0], $0xffff;
	v37 =	vor.u32 v24, v48  }
0x72: {  	v45 =	vld.idx.msk [tilespmem:v45+s11+$0x0], $0xffff;
	v16 =	vadd.f32 v1, v16;
	v1 =	vmul.f32 v8, v22  }
0x73: {  	v12 =	vadd.f32 v42, v12;
	v42 =	vadd.f32 v5, v26;
	v26 =	vld [tilespmem:$0x1FF50]  }
0x74: {  	[tilespmem:$0x1FDD0] =	vst v1;
	v1 =	vld [tilespmem:$0x1FF40]  }
0x75: {  	v13 =	vld.idx.msk [tilespmem:v13+s3+$0x0], $0xffff  }
0x76: {  	v37 =	vld.idx.msk [tilespmem:v37+s11+$0x0], $0xffff  }
0x77: {  	[tilespmem:$0x1FD90] =	vst v40;
	v40 =	vld.idx.msk [tilespmem:v60+s11+$0x0], $0xffff;
	v11 =	vmul.f32 v34, v22;
	v34 =	vor.u32 v36, v48  }
0x78: {  	v30 =	vld.idx.msk [tilespmem:v54+s11+$0x0], $0xffff  }
0x79: {  	[tilespmem:$0x1FDC0] =	vst v38;
	v38 =	vld [tilespmem:$0x1FF70];
	s30 =	sadd.s32 $0x2, s23;
	v54 =	vmul.f32 v45, v22;
	v19 =	vmul.f32 v19, v22;
	v22 =	vor.u32 v1, v48  }
0x7a: {  	v20 =	vld.idx.msk [tilespmem:v20+s11+$0x0], $0xffff;
	v5 =	vadd.s32 s30, v0  }
0x7b: {  	v21 =	vld [tilespmem:$0x1FF90];
	v53 =	vand.u32 $0x3F, v5;
	v60 =	vor.u32 v26, v48;
	v5 =	vmul.f32 v37, v13  }
0x7c: {  	v34 =	vld.idx.msk [tilespmem:v34+s11+$0x0], $0xffff  }
0x7d: {  	v23 =	vmul.f32 v30, v33;
	v30 =	vor.u32 v3, v53;
	[tilespmem:$0x1FDF0] =	vst v5;
	v5 =	vld [tilespmem:$0x1FEF0]  }
0x7e: {  	v17 =	vmul.f32 v17, v33;
	v22 =	vld.idx.msk [tilespmem:v22+s11+$0x0], $0xffff  }
0x7f: {  	v15 =	vmul.f32 v15, v33;
	v20 =	vmul.f32 v20, v33;
	v33 =	vld.idx.msk [tilespmem:v56+s11+$0x0], $0xffff  }
0x80: {  	v43 =	vld.idx.msk [tilespmem:v60+s11+$0x0], $0xffff  }
0x81: {  	v10 =	vadd.f32 v44, v10;
	v60 =	vld.idx.msk [tilespmem:v35+s11+$0x0], $0xffff  }
0x82: {  	v61 =	vmul.f32 v63, v50;
	v63 =	vor.u32 v38, v48;
	v56 =	vld.idx.msk [tilespmem:v30+s3+$0x0], $0xffff;
	v8 =	vmul.f32 v34, v13  }
0x83: {  	v30 =	vld [tilespmem:$0x1FFD0];
	v5 =	vadd.f32 v5, v10;
	v10 =	vmul.f32 v22, v13  }
0x84: {  	v46 =	vor.u32 v21, v53;
	[tilespmem:$0x1FE10] =	vst v8;
	v8 =	vld [tilespmem:$0x1FED0]  }
0x85: {  	v35 =	vmul.f32 v62, v18;
	[tilespmem:$0x1FE70] =	vst v10;
	v10 =	vld [tilespmem:$0x1FE80]  }
0x86: {  	s31 =	sadd.s32 $0x3, s23;
	v15 =	vadd.f32 v15, v55;
	v45 =	vor.u32 v26, v53  }
0x87: {  	v55 =	vld.idx.msk [tilespmem:v63+s11+$0x0], $0xffff;
	v9 =	vadd.f32 v51, v16;
	v51 =	vadd.f32 v35, v42;
	v42 =	vadd.s32 s31, v0  }
0x88: {  	v2 =	vadd.f32 v57, v2;
	v37 =	vand.u32 $0x3F, v42  }
0x89: {  	v63 =	vmul.f32 v33, v18;
	v62 =	vld.idx.msk [tilespmem:v46+s11+$0x0], $0xffff;
	v33 =	vor.u32 v30, v37  }
0x8a: {  	v12 =	vadd.f32 v8, v12;
	v8 =	vmul.f32 v43, v13;
	v2 =	vadd.f32 v10, v2;
	v10 =	vld [tilespmem:$0x1FEE0]  }
0x8b: {  	v16 =	vld.idx.msk [tilespmem:v45+s11+$0x0], $0xffff  }
0x8c: {  	[tilespmem:$0x1FE30] =	vst v8;
	v8 =	vmul.f32 v55, v13;
	_ =	sdelay $0x1  }
0x8d: {  	v27 =	vld [tilespmem:$0x1FF60];
	v0 =	vadd.s32 s23, v0;
	[tilespmem:$0x1FE40] =	vst v8;
	v8 =	vadd.f32 v52, v32  }
0x8e: {  	v0 =	vand.u32 $0x3F, v0;
	v7 =	vadd.f32 v10, v7;
	v10 =	vmul.f32 v62, v56;
	v62 =	vld.idx.msk [tilespmem:v33+s11+$0x0], $0xffff  }
0x8f: {  	[tilespmem:$0x1FE00] =	vst v8;
	v8 =	vmul.f32 v16, v56;
	v16 =	vor.u32 v3, v37;
	v33 =	vor.u32 v3, v0;
	v3 =	vld [tilespmem:$0x1FE60];
	_ =	sdelay $0x2  }
0x90: {  	v25 =	vor.u32 v27, v48;
	v28 =	vadd.f32 v23, v39  }
0x91: {  	v6 =	vld.idx.msk [tilespmem:v6+s11+$0x0], $0xffff;
	v29 =	vmul.f32 v40, v50;
	v43 =	vor.u32 v30, v48  }
0x92: {  	v28 =	vadd.f32 v3, v28;
	v3 =	vld [tilespmem:$0x1FEA0]  }
0x93: {  	v15 =	vadd.f32 v29, v15;
	v55 =	vmul.f32 v60, v18;
	v52 =	vor.u32 v36, v53;
	_ =	sdelay $0x1  }
0x94: {  	v31 =	vld.idx.msk [tilespmem:v25+s11+$0x0], $0xffff;
	v15 =	vadd.f32 v55, v15  }
0x95: {  	v6 =	vmul.f32 v6, v18;
	v18 =	vld.idx.msk [tilespmem:v43+s11+$0x0], $0xffff  }
0x96: {  	v55 =	vadd.f32 v11, v15;
	v11 =	vadd.f32 v3, v28;
	v3 =	vld [tilespmem:$0x1FF10]  }
0x97: {  	v39 =	vld.idx.msk [tilespmem:v52+s11+$0x0], $0xffff  }
0x98: {  	v17 =	vadd.f32 v17, v49  }
0x99: {  	v31 =	vmul.f32 v31, v13  }
0x9a: {  	v47 =	vld.idx.msk [tilespmem:v47+s11+$0x0], $0xffff;
	v17 =	vadd.f32 v61, v17  }
0x9b: {  	[tilespmem:$0x1FE80] =	vst v10;
	v10 =	vmul.f32 v18, v13;
	v18 =	vmovc v56;
	v4 =	vadd.f32 v3, v4;
	v3 =	vmov v31  }
0x9c: {  	v6 =	vadd.f32 v6, v17;
	v17 =	vld [tilespmem:$0x1FF20];
	[tilespmem:$0x1FE60] =	vst v3;
	v3 =	vmul.f32 v39, v18  }
0x9d: {  	v45 =	vor.u32 v30, v53;
	v22 =	vld.idx.msk [tilespmem:v16+s3+$0x0], $0xffff  }
0x9e: {  	v16 =	vor.u32 v1, v37;
	[tilespmem:$0x1FED0] =	vst v3;
	v3 =	vld [tilespmem:$0x1FD70]  }
0x9f: {  	v49 =	vor.u32 v14, v53  }
0xa0: {  	v61 =	vor.u32 v14, v37  }
0xa1: {  	v34 =	vld [tilespmem:$0x1FFB0]  }
0xa2: {  	v35 =	vld.idx.msk [tilespmem:v45+s11+$0x0], $0xffff  }
0xa3: {  	v47 =	vmul.f32 v47, v50;
	v17 =	vadd.f32 v59, v17;
	v16 =	vld.idx.msk [tilespmem:v16+s11+$0x0], $0xffff  }
0xa4: {  	v20 =	vadd.f32 v20, v41;
	v41 =	vld.idx.msk [tilespmem:v49+s11+$0x0], $0xffff;
	v52 =	vor.u32 v27, v37  }
0xa5: {  	v17 =	vadd.f32 v47, v17;
	v50 =	vmov v13;
	v25 =	vor.u32 v1, v53;
	v13 =	vld.idx.msk [tilespmem:v61+s11+$0x0], $0xffff  }
0xa6: {  	v61 =	vor.u32 v1, v0;
	v1 =	vor.u32 v34, v0;
	v47 =	vld.idx.msk [tilespmem:v3+s11+$0x0], $0xffff;
	v3 =	vmul.f32 v62, v22  }
0xa7: {  	[tilespmem:$0x1FE90] =	vst v10;
	v10 =	vmul.f32 v35, v56  }
0xa8: {  	v44 =	vor.u32 v27, v53;
	[tilespmem:$0x1FEE0] =	vst v3;
	v3 =	vmul.f32 v16, v22  }
0xa9: {  	v40 =	vor.u32 v24, v53;
	[tilespmem:$0x1FEC0] =	vst v10;
	v10 =	vmul.f32 v41, v56;
	v41 =	vld.idx.msk [tilespmem:v52+s11+$0x0], $0xffff  }
0xaa: {  	[tilespmem:$0x1FEF0] =	vst v3;
	v3 =	vld [tilespmem:$0x1FF00]  }
0xab: {  	v62 =	vld.idx.msk [tilespmem:v1+s11+$0x0], $0xffff  }
0xac: {  	v1 =	vld [tilespmem:$0x1FDA0]  }
0xad: {  	v44 =	vld.idx.msk [tilespmem:v44+s11+$0x0], $0xffff  }
0xae: {  	v57 =	vor.u32 v38, v53;
	v29 =	vor.u32 v21, v48;
	v40 =	vld.idx.msk [tilespmem:v40+s11+$0x0], $0xffff;
	v31 =	vmul.f32 v13, v22  }
0xaf: {  	v49 =	vld.idx.msk [tilespmem:v25+s11+$0x0], $0xffff;
	v13 =	vadd.f32 v63, v17;
	v39 =	vadd.f32 v3, v11;
	v11 =	vmul.f32 v41, v22  }
0xb0: {  	v46 =	vor.u32 v38, v37;
	v16 =	vor.u32 v38, v0;
	v38 =	vor.u32 v14, v0;
	v14 =	vmovc v5;
	v5 =	vld [tilespmem:$0x1FE20]  }
0xb1: {  	v1 =	vadd.f32 v1, v13;
	[tilespmem:$0x1FF00] =	vst v11;
	v11 =	vld [tilespmem:$0x1FD80]  }
0xb2: {  	v17 =	vld [tilespmem:$0x1FD90]  }
0xb3: {  	[tilespmem:$0x1FF20] =	vst v1;
	v1 =	vld [tilespmem:$0x1FDB0]  }
0xb4: {  	v42 =	vld [tilespmem:$0x1FFF0];
	v15 =	vor.u32 v21, v0  }
0xb5: {  	v23 =	vmul.f32 v44, v56;
	v59 =	vadd.f32 v54, v51;
	v51 =	vld.idx.msk [tilespmem:v29+s11+$0x0], $0xffff;
	v12 =	vadd.f32 v19, v12  }
0xb6: {  	v29 =	vld.idx.msk [tilespmem:v57+s11+$0x0], $0xffff;
	v44 =	vmul.f32 v49, v56;
	v49 =	vadd.f32 v11, v6;
	v11 =	vadd.f32 v5, v20  }
0xb7: {  	v19 =	vor.u32 v34, v48;
	v25 =	vor.u32 v26, v37;
	[tilespmem:$0x1FE50] =	vst v8;
	v8 =	vmul.f32 v40, v56;
	v40 =	vld [tilespmem:$0x1FFE0]  }
0xb8: {  	v32 =	vld [tilespmem:$0x1FFA0];
	v17 =	vadd.f32 v17, v11;
	v11 =	vadd.f32 v1, v9;
	v9 =	vmul.f32 v47, v50  }
0xb9: {  	v2 =	vadd.f32 v58, v2;
	v58 =	vld.idx.msk [tilespmem:v15+s11+$0x0], $0xffff  }
0xba: {  	[tilespmem:$0x1FF10] =	vst v9;
	v9 =	vld [tilespmem:$0x1FDC0]  }
0xbb: {  	v15 =	vld [tilespmem:$0x1FDF0];
	v35 =	vor.u32 v26, v0  }
0xbc: {  	v19 =	vld.idx.msk [tilespmem:v19+s11+$0x0], $0xffff;
	v52 =	vor.u32 v40, v0  }
0xbd: {  	v25 =	vld.idx.msk [tilespmem:v25+s11+$0x0], $0xffff;
	v28 =	vor.u32 v36, v0  }
0xbe: {  	v33 =	vld.idx.msk [tilespmem:v33+s3+$0x0], $0xffff  }
0xbf: {  	v4 =	vadd.f32 v9, v4;
	v9 =	vld [tilespmem:$0x1FDD0]  }
0xc0: {  	v15 =	vmov v15;
	v36 =	vld.idx.msk [tilespmem:v35+s11+$0x0], $0xffff  }
0xc1: {  	[tilespmem:$0x1FE20] =	vst v15;
	v15 =	vld.idx.msk [tilespmem:v52+s11+$0x0], $0xffff  }
0xc2: {  	v60 =	vor.u32 v30, v0;
	v20 =	vld.idx.msk [tilespmem:v28+s11+$0x0], $0xffff  }
0xc3: {  	v54 =	vor.u32 v27, v0;
	v1 =	vld.idx.msk [tilespmem:v16+s11+$0x0], $0xffff  }
0xc4: {  	v45 =	vor.u32 v34, v37;
	v63 =	vor.u32 v42, v48;
	v41 =	vadd.f32 v9, v17;
	v9 =	vld [tilespmem:$0x1FDE0]  }
0xc5: {  	v57 =	vmul.f32 v51, v50;
	v43 =	vor.u32 v32, v37;
	v26 =	vor.u32 v42, v0;
	v16 =	vld.idx.msk [tilespmem:v38+s11+$0x0], $0xffff  }
0xc6: {  	v27 =	vor.u32 v32, v0;
	v51 =	vmul.f32 v29, v18;
	v56 =	vor.u32 v32, v53;
	v38 =	vmovc v10;
	v10 =	vld [tilespmem:$0x1FE00]  }
0xc7: {  	p0 =	sne.s32 s22, $0x3C;
	v35 =	vor.u32 v40, v53;
	v52 =	vmul.f32 v25, v22;
	v3 =	vld.idx.msk [tilespmem:v60+s11+$0x0], $0xffff;
	v60 =	vor.u32 v40, v48  }
.Ltmp0:
0xc8: {  	v61 =	vld.idx.msk [tilespmem:v61+s11+$0x0], $0xffff;
	v5 =	vmul.f32 v19, v50;
	v6 =	vor.u32 v42, v53;
	v19 =	vor.u32 v21, v37;
	(pc) =	sbr.rel @p0 .LBB2_3-.Ltmp0, $4  }
0xc9: {  	v63 =	vld.idx.msk [tilespmem:v63+s11+$0x0], $0xffff;
	v47 =	vor.u32 v32, v48;
	v13 =	vadd.f32 v9, v4;
	v9 =	vmul.f32 v36, v33  }
0xca: {  	v48 =	vor.u32 v40, v37;
	v20 =	vmul.f32 v20, v33;
	v17 =	vld.idx.msk [tilespmem:v26+s11+$0x0], $0xffff;
	v4 =	vmov v23  }
0xcb: {  	v40 =	vmov v8;
	[tilespmem:$0x1FEA0] =	vst v4;
	v4 =	vor.u32 v34, v53;
	v53 =	vadd.f32 v9, v10;
	v10 =	vld.idx.msk [tilespmem:v27+s11+$0x0], $0xffff  }
0xcc: {  	s22 =	sadd.s32 $0x4, s22;
	v8 =	vor.u32 v24, v37;
	v12 =	vadd.f32 v20, v12;
	v36 =	vmovc v31;
	v9 =	vor.u32 v42, v37;
	v42 =	vld [tilespmem:$0x1FE10]  }
0xcd: {  	v21 =	vld [tilespmem:$0x1FE70]  }
0xce: {  	v20 =	vmul.f32 v61, v33;
	_ =	sdelay $0x1  }
0xcf: {  	v20 =	vadd.f32 v20, v14;
	v14 =	vld [tilespmem:$0x1FE30]  }
0xd0: {  	v3 =	vmul.f32 v3, v33  }
0xd1: {  	v20 =	vadd.f32 v21, v20;
	v21 =	vld [tilespmem:$0x1FE50]  }
0xd2: {  	v3 =	vadd.f32 v3, v7;
	v7 =	vmul.f32 v16, v33;
	_ =	sdelay $0x1  }
0xd3: {  	v7 =	vadd.f32 v7, v13;
	v13 =	vld [tilespmem:$0x1FE90];
	v14 =	vadd.f32 v14, v53;
	_ =	sdelay $0x1  }
0xd4: {  	v30 =	vadd.f32 v21, v14;
	v14 =	vld [tilespmem:$0x1FEC0];
	_ =	sdelay $0x2  }
0xd5: {  	v3 =	vadd.f32 v13, v3;
	_ =	sdelay $0x1  }
0xd6: {  	v3 =	vadd.f32 v14, v3;
	v14 =	vld [tilespmem:$0x1FE40]  }
0xd7: {  	v26 =	vld.idx.msk [tilespmem:v54+s11+$0x0], $0xffff;
	v1 =	vmul.f32 v1, v33;
	_ =	sdelay $0x1  }
0xd8: {  	v27 =	vld.idx.msk [tilespmem:v60+s11+$0x0], $0xffff;
	v1 =	vadd.f32 v1, v11  }
0xd9: {  	v11 =	vadd.f32 v44, v20;
	v20 =	vld.idx.msk [tilespmem:v47+s11+$0x0], $0xffff  }
0xda: {  	v23 =	vmul.f32 v62, v33;
	v1 =	vadd.f32 v14, v1;
	v14 =	vld [tilespmem:$0x1FE60]  }
0xdb: {  	v13 =	vmul.f32 v15, v33;
	v15 =	vmul.f32 v26, v33  }
0xdc: {  	v23 =	vadd.f32 v23, v59  }
0xdd: {  	v25 =	vmul.f32 v58, v33;
	v6 =	vld.idx.msk [tilespmem:v6+s11+$0x0], $0xffff;
	v15 =	vadd.f32 v15, v39  }
0xde: {  	v9 =	vld.idx.msk [tilespmem:v9+s11+$0x0], $0xffff;
	v17 =	vmul.f32 v17, v33;
	v5 =	vadd.f32 v5, v23;
	v23 =	vmul.f32 v27, v50  }
0xdf: {  	v13 =	vadd.f32 v13, v55;
	v15 =	vadd.f32 v14, v15;
	v14 =	vmul.f32 v20, v50;
	v20 =	vld [tilespmem:$0x1FF20]  }
0xe0: {  	v2 =	vadd.f32 v25, v2;
	v26 =	vld.idx.msk [tilespmem:v56+s11+$0x0], $0xffff  }
0xe1: {  	v25 =	vmul.f32 v63, v50;
	v17 =	vadd.f32 v17, v49;
	v13 =	vadd.f32 v23, v13;
	v23 =	vld [tilespmem:$0x1FEA0]  }
0xe2: {  	v19 =	vld.idx.msk [tilespmem:v19+s11+$0x0], $0xffff;
	v10 =	vmul.f32 v10, v33  }
0xe3: {  	v31 =	vld [tilespmem:$0x1FF30];
	v6 =	vmul.f32 v6, v18;
	v17 =	vadd.f32 v25, v17  }
0xe4: {  	v24 =	vld.idx.msk [tilespmem:v46+s11+$0x0], $0xffff;
	v10 =	vadd.f32 v10, v20  }
0xe5: {  	v61 =	vld [tilespmem:$0x1FFC0];
	v9 =	vmul.f32 v9, v22;
	v6 =	vadd.f32 v6, v17  }
0xe6: {  	v17 =	vld [tilespmem:$0x1FEF0];
	v15 =	vadd.f32 v23, v15;
	v23 =	vmul.f32 v26, v18;
	v10 =	vadd.f32 v14, v10  }
0xe7: {  	v28 =	vld.idx.msk [tilespmem:v48+s11+$0x0], $0xffff  }
0xe8: {  	v6 =	vadd.f32 v9, v6;
	v9 =	vadd.f32 v23, v10;
	v10 =	vld [tilespmem:$0x1FED0]  }
0xe9: {  	v29 =	vld.idx.msk [tilespmem:v45+s11+$0x0], $0xffff;
	v16 =	vor.u32 v31, v37  }
0xea: {  	v4 =	vld.idx.msk [tilespmem:v4+s11+$0x0], $0xffff  }
0xeb: {  	v12 =	vadd.f32 v42, v12;
	v11 =	vadd.f32 v17, v11;
	v17 =	vld [tilespmem:$0x1FF00]  }
0xec: {  	v0 =	vor.u32 v61, v0;
	v20 =	vld.idx.msk [tilespmem:v35+s11+$0x0], $0xffff  }
0xed: {  	v10 =	vadd.f32 v10, v12;
	v12 =	vld [tilespmem:$0x1FEE0]  }
0xee: {  	v16 =	vld.idx.msk [tilespmem:v16+s11+$0x0], $0xffff  }
0xef: {  	v8 =	vld.idx.msk [tilespmem:v8+s11+$0x0], $0xffff  }
0xf0: {  	s22 =	smul.u32 $0x190, s20;
	v27 =	vld.idx.msk [tilespmem:v43+s11+$0x0], $0xffff;
	v15 =	vadd.f32 v17, v15  }
0xf1: {  	v0 =	vld.idx.msk [tilespmem:v0+s11+$0x0], $0xffff  }
0xf2: {  	v4 =	vmul.f32 v4, v18;
	[tilespmem:s22+$0x17810] =	vst v15;
	v15 =	vld [tilespmem:$0x1FE80];
	v3 =	vadd.f32 v12, v3;
	v12 =	vmul.f32 v20, v18  }
0xf3: {  	[tilespmem:s22+$0x17820] =	vst v6;
	v6 =	vmul.f32 v16, v22  }
0xf4: {  	v4 =	vadd.f32 v4, v5;
	[tilespmem:s22+$0x17830] =	vst v3;
	v3 =	vmul.f32 v28, v22;
	v5 =	vadd.f32 v12, v13  }
0xf5: {  	v2 =	vadd.f32 v57, v2;
	v6 =	vadd.f32 v6, v10;
	v10 =	vld [tilespmem:$0x1FF10]  }
0xf6: {  	v21 =	vadd.f32 v52, v30;
	v14 =	vmul.f32 v27, v22;
	v3 =	vadd.f32 v3, v5;
	v5 =	vld [tilespmem:$0x1FE20]  }
0xf7: {  	v19 =	vmul.f32 v19, v22;
	v0 =	vmul.f32 v0, v33;
	v2 =	vadd.f32 v15, v2  }
0xf8: {  	[tilespmem:s22+$0x17800] =	vst v21;
	v9 =	vadd.f32 v14, v9  }
0xf9: {  	v0 =	vadd.f32 v0, v41;
	[tilespmem:s22+$0x17850] =	vst v11;
	v2 =	vadd.f32 v19, v2  }
0xfa: {  	v1 =	vadd.f32 v51, v1;
	[tilespmem:s22+$0x17840] =	vst v9;
	v9 =	vmul.f32 v24, v22;
	v7 =	vadd.f32 v10, v7  }
0xfb: {  	[tilespmem:s22+$0x17860] =	vst v2;
	v10 =	vmul.f32 v29, v22;
	v0 =	vadd.f32 v5, v0  }
0xfc: {  	s23 =	sand.u32 $0x7FF0, s22;
	v1 =	vadd.f32 v9, v1;
	[tilespmem:s22+$0x17870] =	vst v6;
	v2 =	vadd.f32 v38, v7  }
0xfd: {  	v4 =	vadd.f32 v10, v4;
	[tilespmem:s23+$0x17880] =	vst v3;
	v5 =	vmul.f32 v8, v22;
	v0 =	vadd.f32 v40, v0  }
0xfe: {  	p0 =	seq.s32 s20, $0x3F;
	v2 =	vadd.f32 v36, v2;
	[tilespmem:s22+$0x17890] =	vst v1  }
0xff: {  	s23 =	sshll.u32 @!p0 s20, $0x9;
	[tilespmem:s22+$0x178A0] =	vst v4;
	v0 =	vadd.f32 v5, v0  }
0x100: {  	s23 =	sand.u32 @!p0 $0x3FFFFE00, s23;
	[tilespmem:s22+$0x178B0] =	vst v2  }
0x101: {  	s24 =	simm.s32 @!p0 $0x64;
	s25 =	simm.s32 @!p0 $0xA000;
	[tilespmem:s22+$0x178C0] =	vst v0;
	s22 =	sadd.s32 @!p0 $0x2200, s23  }
0x102: {  	[tilespmem:s25], [sflag:$0x1] =	stream.indirect.gather @!p0 [hbm4b:s1+s24], $0x80, s22, s24, $0xb8;
	[tilespmem:$0x1DC80] =	vst v63  }
0x103: {  	s22 =	sadd.s32 @!p0 $0x2280, s23;
	s23 =	simm.s32 @!p0 $0xD400  }
0x104: {  	[tilespmem:s23], [sflag:$0x1] =	stream.indirect.gather @!p0 [hbm4b:s1+s24], $0x80, s22, s24, $0xb8;
	[tilespmem:$0x1DC80] =	vst v63  }
0x105: {  	_ =	swait.ge [sflag:s17], $0x3200  }
0x106: {  	[sflag:s17] =	ssyncset.done $0x0  }
0x107: {  	v39 =	vld [tilespmem:$0x1FF70];
	[sflag:s17] =	ssyncadd.s32 $0xFFFFCE00  }
0x108: {  	v45 =	vld [tilespmem:$0x1FFA0];
	_ =	swait.ge [sflag:s17], $0x3200  }
0x109: {  	s26 =	simm.s32 $0x1;
	v42 =	vlaneseq.u32;
	v29 =	vld [tilespmem:$0x1FF50]  }
0x10a: {  	s28 =	sshll.u32 s21, $0x6;
	v0 =	vadd.s32 s26, v42;
	v38 =	vld [tilespmem:$0x1FF60]  }
0x10b: {  	s30 =	simm.s32 $0x3;
	v44 =	vmov s28;
	v1 =	vand.u32 $0x3F, v0;
	v58 =	vld [tilespmem:$0x1FF90]  }
0x10c: {  	v19 =	vadd.s32 s30, v42;
	v4 =	vor.u32 v1, v44;
	v59 =	vld [tilespmem:$0x1FFF0]  }
0x10d: {  	v19 =	vand.u32 $0x3F, v19;
	v7 =	vor.u32 v61, v1;
	v32 =	vld [tilespmem:$0x1FFE0]  }
0x10e: {  	v22 =	vor.u32 v19, v44;
	v40 =	vld [tilespmem:$0x1FF80]  }
0x10f: {  	v24 =	vor.u32 v31, v1;
	[sflag:s17] =	ssyncset.done $0x0;
	v52 =	vld [tilespmem:$0x1FFB0]  }
0x110: {  	s29 =	simm.s32 $0x2;
	v25 =	vld [tilespmem:$0x1FF40];
	[sflag:s17] =	ssyncadd.s32 $0xFFFFCE00  }
0x111: {  	v0 =	vor.u32 v39, v1;
	v16 =	vld.idx.msk [tilespmem:v4+s3+$0x0], $0xffff;
	v4 =	vadd.s32 s29, v42  }
0x112: {  	v3 =	vor.u32 v45, v1;
	v10 =	vld.idx.msk [tilespmem:v7+s14+$0x0], $0xffff;
	v26 =	vand.u32 $0x3F, v4  }
0x113: {  	v37 =	vld.idx.msk [tilespmem:v22+s3+$0x0], $0xffff;
	v13 =	vor.u32 v45, v26  }
0x114: {  	v34 =	vld.idx.msk [tilespmem:v24+s14+$0x0], $0xffff;
	v30 =	vor.u32 v61, v26  }
0x115: {  	v24 =	vld [tilespmem:$0x1FFD0];
	v5 =	vor.u32 v29, v1  }
0x116: {  	v6 =	vor.u32 v38, v1;
	v2 =	vld.idx.msk [tilespmem:v0+s14+$0x0], $0xffff  }
0x117: {  	v8 =	vor.u32 v32, v1;
	v9 =	vld.idx.msk [tilespmem:v3+s14+$0x0], $0xffff  }
0x118: {  	v12 =	vor.u32 v58, v26;
	v13 =	vld.idx.msk [tilespmem:v13+s14+$0x0], $0xffff  }
0x119: {  	v17 =	vor.u32 v32, v26;
	v22 =	vld.idx.msk [tilespmem:v30+s14+$0x0], $0xffff  }
0x11a: {  	v18 =	vor.u32 v40, v26;
	v5 =	vld.idx.msk [tilespmem:v5+s14+$0x0], $0xffff  }
0x11b: {  	v20 =	vor.u32 v25, v26;
	v4 =	vld.idx.msk [tilespmem:v6+s14+$0x0], $0xffff  }
0x11c: {  	v21 =	vor.u32 v52, v19;
	v8 =	vld.idx.msk [tilespmem:v8+s14+$0x0], $0xffff  }
0x11d: {  	v27 =	vor.u32 v25, v19;
	v12 =	vld.idx.msk [tilespmem:v12+s14+$0x0], $0xffff  }
0x11e: {  	v0 =	vor.u32 v58, v1;
	v17 =	vld.idx.msk [tilespmem:v17+s14+$0x0], $0xffff  }
0x11f: {  	v3 =	vor.u32 v59, v1;
	v18 =	vld.idx.msk [tilespmem:v18+s14+$0x0], $0xffff  }
0x120: {  	v6 =	vor.u32 v26, v44;
	v35 =	vld.idx.msk [tilespmem:v20+s14+$0x0], $0xffff  }
0x121: {  	v7 =	vor.u32 v38, v26;
	v21 =	vld.idx.msk [tilespmem:v21+s14+$0x0], $0xffff  }
0x122: {  	v41 =	vor.u32 v32, v19;
	v36 =	vld.idx.msk [tilespmem:v27+s14+$0x0], $0xffff  }
0x123: {  	v63 =	vor.u32 v25, v1;
	v11 =	vld.idx.msk [tilespmem:v0+s14+$0x0], $0xffff  }
0x124: {  	v0 =	vor.u32 v29, v26;
	v62 =	vld.idx.msk [tilespmem:v3+s14+$0x0], $0xffff  }
0x125: {  	v3 =	vor.u32 v40, v1;
	v14 =	vld.idx.msk [tilespmem:v6+s3+$0x0], $0xffff  }
0x126: {  	v6 =	vld.idx.msk [tilespmem:v7+s14+$0x0], $0xffff  }
0x127: {  	v28 =	vor.u32 v59, v26;
	v43 =	vor.u32 v52, v1;
	v20 =	vor.u32 v40, v19;
	v33 =	vld.idx.msk [tilespmem:v41+s14+$0x0], $0xffff  }
0x128: {  	v51 =	vmul.f32 v34, v16;
	v56 =	vld.idx.msk [tilespmem:v63+s14+$0x0], $0xffff;
	v7 =	vor.u32 v52, v26;
	v4 =	vmul.f32 v4, v16  }
0x129: {  	v30 =	vor.u32 v31, v19;
	v5 =	vmul.f32 v5, v16;
	v15 =	vld.idx.msk [tilespmem:v0+s14+$0x0], $0xffff;
	v0 =	vor.u32 v31, v26  }
0x12a: {  	v63 =	vor.u32 v24, v19;
	v3 =	vld.idx.msk [tilespmem:v3+s14+$0x0], $0xffff;
	[tilespmem:$0x1FC90] =	vst v4;
	v4 =	vmul.f32 v11, v16  }
0x12b: {  	v36 =	vmul.f32 v36, v37;
	[tilespmem:$0x1FC80] =	vst v5;
	v5 =	vor.u32 v61, v19;
	v6 =	vmul.f32 v6, v14  }
0x12c: {  	v49 =	vld.idx.msk [tilespmem:v20+s14+$0x0], $0xffff;
	v8 =	vmul.f32 v8, v16;
	[tilespmem:$0x1FCA0] =	vst v4;
	v12 =	vmul.f32 v12, v14  }
0x12d: {  	v4 =	vor.u32 v38, v19;
	v7 =	vld.idx.msk [tilespmem:v7+s14+$0x0], $0xffff;
	v13 =	vmul.f32 v13, v14;
	[tilespmem:$0x1FCB0] =	vst v6  }
0x12e: {  	v11 =	vor.u32 v58, v19;
	v23 =	vld.idx.msk [tilespmem:v0+s14+$0x0], $0xffff;
	v6 =	vmul.f32 v15, v14;
	[tilespmem:$0x1FCE0] =	vst v12  }
0x12f: {  	v18 =	vmul.f32 v18, v14;
	v3 =	vmul.f32 v3, v16;
	v12 =	vor.u32 v29, v19;
	[tilespmem:$0x1FCF0] =	vst v13  }
0x130: {  	v57 =	vmul.f32 v17, v14;
	v13 =	vor.u32 v39, v19;
	v5 =	vld.idx.msk [tilespmem:v5+s14+$0x0], $0xffff;
	[tilespmem:$0x1FCC0] =	vst v6  }
0x131: {  	v55 =	vmul.f32 v49, v37;
	[tilespmem:$0x1FCD0] =	vst v3;
	v3 =	vor.u32 v59, v19;
	v6 =	vld.idx.msk [tilespmem:v28+s14+$0x0], $0xffff  }
0x132: {  	s31 =	simm.s32 $0x0;
	v49 =	vmul.f32 v2, v16;
	v15 =	vor.u32 v45, v19;
	v28 =	vor.u32 v24, v1;
	v4 =	vld.idx.msk [tilespmem:v4+s14+$0x0], $0xffff  }
0x133: {  	[tilespmem:$0x1FD20] =	vst v44;
	v27 =	vmul.f32 v7, v14;
	v7 =	vadd.s32 s31, v42;
	v20 =	vmul.f32 v23, v14;
	v23 =	vld.idx.msk [tilespmem:v11+s14+$0x0], $0xffff  }
0x134: {  	v0 =	vimm.f32 $0.0e+00;
	[tilespmem:$0x1FD10] =	vst v18;
	v18 =	vand.u32 $0x3F, v7;
	v42 =	vor.u32 v7, v44;
	v12 =	vld.idx.msk [tilespmem:v12+s14+$0x0], $0xffff  }
0x135: {  	v60 =	vor.u32 v29, v18;
	v7 =	vor.u32 v38, v18;
	v47 =	vor.u32 v59, v18;
	v13 =	vld.idx.msk [tilespmem:v13+s14+$0x0], $0xffff  }
0x136: {  	v48 =	vor.u32 v24, v18;
	v11 =	vor.u32 v45, v18;
	v50 =	vor.u32 v25, v18;
	v3 =	vld.idx.msk [tilespmem:v3+s14+$0x0], $0xffff  }
0x137: {  	v17 =	vor.u32 v39, v18;
	v46 =	vmul.f32 v6, v14;
	v6 =	vld.idx.msk [tilespmem:v15+s14+$0x0], $0xffff;
	v15 =	vmul.f32 v22, v14  }
0x138: {  	v38 =	vmul.f32 v5, v37;
	v59 =	vimm.f32 $0.0e+00;
	[tilespmem:$0x1FD00] =	vst v20;
	v5 =	vld.idx.msk [tilespmem:v28+s14+$0x0], $0xffff;
	v1 =	vmul.f32 v4, v37  }
0x139: {  	v24 =	vimm.f32 $0.0e+00;
	v29 =	vlaneseq.u32;
	v20 =	vor.u32 v31, v18;
	[tilespmem:$0x1FD30] =	vst v15;
	v15 =	vld.idx.msk [tilespmem:v30+s14+$0x0], $0xffff  }
0x13a: {  	v4 =	vor.u32 v52, v18;
	v31 =	vimm.f32 $0.0e+00;
	v22 =	vimm.f32 $0.0e+00;
	[tilespmem:$0x1FD40] =	vst v1;
	v34 =	vld.idx.msk [tilespmem:v42+s3+$0x0], $0xffff  }
0x13b: {  	v53 =	vmul.f32 v23, v37;
	v44 =	vld.idx.msk [tilespmem:v60+s14+$0x0], $0xffff;
	v1 =	vmul.f32 v12, v37;
	v12 =	vor.u32 v40, v18  }
0x13c: {  	v23 =	vmul.f32 v21, v37;
	v25 =	vmul.f32 v13, v37;
	v60 =	vld.idx.msk [tilespmem:v17+s14+$0x0], $0xffff;
	v13 =	vimm.f32 $0.0e+00  }
0x13d: {  	v17 =	vld.idx.msk [tilespmem:v50+s14+$0x0], $0xffff;
	v40 =	vimm.f32 $0.0e+00;
	v45 =	vmul.f32 v3, v37;
	v42 =	vmul.f32 v6, v37  }
0x13e: {  	v19 =	vld.idx.msk [tilespmem:v47+s14+$0x0], $0xffff;
	v3 =	vor.u32 v61, v18;
	v6 =	vor.u32 v39, v26;
	v39 =	vmul.f32 v10, v16  }
0x13f: {  	v41 =	vld.idx.msk [tilespmem:v4+s14+$0x0], $0xffff;
	v54 =	vmul.f32 v5, v16;
	v10 =	vmul.f32 v9, v16;
	v4 =	vimm.f32 $0.0e+00  }
0x140: {  	v2 =	vld.idx.msk [tilespmem:v48+s14+$0x0], $0xffff;
	[tilespmem:$0x1FD50] =	vst v1;
	v61 =	vimm.f32 $0.0e+00;
	v5 =	vimm.f32 $0.0e+00;
	v9 =	vimm.f32 $0.0e+00  }
0x141: {  	v1 =	vld.idx.msk [tilespmem:v43+s14+$0x0], $0xffff;
	v52 =	vmul.f32 v15, v37;
	v15 =	vor.u32 v32, v18;
	v21 =	vmul.f32 v44, v34  }
0x142: {  	s22 =	simm.s32 $0x4;
	[tilespmem:$0x1FD60] =	vst v22;
	v20 =	vld.idx.msk [tilespmem:v20+s14+$0x0], $0xffff;
	v18 =	vor.u32 v58, v18;
	v58 =	vimm.f32 $0.0e+00;
	v44 =	vimm.f32 $0.0e+00  }
.LBB2_5:
0x143: {  	v0 =	vadd.f32 v21, v0;
	v21 =	vld.idx.msk [tilespmem:v11+s14+$0x0], $0xffff  }
0x144: {  	v11 =	vmul.f32 v60, v34;
	v60 =	vld.idx.msk [tilespmem:v7+s14+$0x0], $0xffff  }
0x145: {  	v7 =	vld [tilespmem:$0x1FC80];
	_ =	sdelay $0x1  }
0x146: {  	v22 =	vld [tilespmem:$0x1FFD0]  }
0x147: {  	v47 =	vld [tilespmem:$0x1FF70]  }
0x148: {  	s23 =	smov.u32 s22;
	v56 =	vmul.f32 v56, v16  }
0x149: {  	s24 =	sadd.s32 $0x1, s23;
	v1 =	vmul.f32 v1, v16;
	v17 =	vmul.f32 v17, v34;
	v0 =	vadd.f32 v7, v0  }
0x14a: {  	[tilespmem:$0x1FBD0] =	vst v27;
	v15 =	vld.idx.msk [tilespmem:v15+s14+$0x0], $0xffff;
	v27 =	vmul.f32 v62, v16;
	v16 =	vadd.s32 s24, v29;
	v19 =	vmul.f32 v19, v34  }
0x14b: {  	v43 =	vld [tilespmem:$0x1FD20];
	v26 =	vor.u32 v22, v26;
	[tilespmem:$0x1FBA0] =	vst v0;
	v0 =	vand.u32 $0x3F, v16  }
0x14c: {  	v17 =	vadd.f32 v17, v13;
	v4 =	vadd.f32 v19, v4;
	v13 =	vld [tilespmem:$0x1FFA0];
	v19 =	vor.u32 v47, v0  }
0x14d: {  	v6 =	vld.idx.msk [tilespmem:v6+s14+$0x0], $0xffff;
	[tilespmem:$0x1FC10] =	vst v25  }
0x14e: {  	v25 =	vmul.f32 v33, v37;
	[tilespmem:$0x1FBB0] =	vst v1;
	v1 =	vld.idx.msk [tilespmem:v63+s14+$0x0], $0xffff  }
0x14f: {  	v7 =	vld [tilespmem:$0x1FF60];
	v16 =	vmul.f32 v20, v34  }
0x150: {  	[tilespmem:$0x1FB90] =	vst v25;
	v25 =	vld.idx.msk [tilespmem:v26+s14+$0x0], $0xffff  }
0x151: {  	v48 =	vmul.f32 v60, v34;
	v26 =	vor.u32 v13, v0;
	v60 =	vadd.f32 v16, v61;
	v16 =	vld.idx.msk [tilespmem:v19+s14+$0x0], $0xffff  }
0x152: {  	v50 =	vld [tilespmem:$0x1FFC0]  }
0x153: {  	v28 =	vadd.f32 v11, v59;
	v59 =	vmul.f32 v2, v34;
	v2 =	vld.idx.msk [tilespmem:v18+s14+$0x0], $0xffff  }
0x154: {  	[tilespmem:$0x1FBE0] =	vst v38;
	v38 =	vmul.f32 v35, v14;
	v18 =	vld.idx.msk [tilespmem:v12+s14+$0x0], $0xffff  }
0x155: {  	v15 =	vmul.f32 v15, v34;
	v12 =	vmul.f32 v1, v37;
	v1 =	vor.u32 v7, v0  }
0x156: {  	v6 =	vmul.f32 v6, v14;
	v35 =	vor.u32 v0, v43;
	[tilespmem:$0x1FC70] =	vst v16;
	v16 =	vld.idx.msk [tilespmem:v26+s14+$0x0], $0xffff;
	_ =	sdelay $0x1  }
0x157: {  	v9 =	vadd.f32 v15, v9;
	[tilespmem:$0x1FBF0] =	vst v6;
	v6 =	vld [tilespmem:$0x1FCD0];
	v20 =	vor.u32 v50, v0  }
0x158: {  	v30 =	vld [tilespmem:$0x1FF50];
	v2 =	vmul.f32 v2, v34;
	v15 =	vmul.f32 v18, v34  }
0x159: {  	[tilespmem:$0x1FC00] =	vst v23;
	s30 =	sadd.s32 $0x2, s23;
	v8 =	vadd.f32 v8, v9;
	v23 =	vmul.f32 v25, v14;
	v1 =	vld.idx.msk [tilespmem:v1+s14+$0x0], $0xffff  }
0x15a: {  	v25 =	vadd.s32 s30, v29;
	[tilespmem:$0x1FC50] =	vst v16;
	v16 =	vld.idx.msk [tilespmem:v35+s3+$0x0], $0xffff;
	v35 =	vadd.f32 v2, v31;
	v2 =	vadd.f32 v15, v24  }
0x15b: {  	v57 =	vadd.f32 v57, v8;
	v8 =	vld [tilespmem:$0x1FD10];
	v26 =	vand.u32 $0x3F, v25  }
0x15c: {  	v14 =	vadd.f32 v6, v2;
	v2 =	vld.idx.msk [tilespmem:v20+s14+$0x0], $0xffff;
	v20 =	vor.u32 v7, v26;
	_ =	sdelay $0x1  }
0x15d: {  	v61 =	vor.u32 v30, v0  }
0x15e: {  	v25 =	vld [tilespmem:$0x1FC90];
	v1 =	vmul.f32 v1, v16  }
0x15f: {  	v14 =	vadd.f32 v8, v14;
	v8 =	vld [tilespmem:$0x1FCA0]  }
0x160: {  	[tilespmem:$0x1FC90] =	vst v1;
	v1 =	vld.idx.msk [tilespmem:v20+s14+$0x0], $0xffff  }
0x161: {  	v20 =	vld [tilespmem:$0x1FCE0]  }
0x162: {  	v15 =	vld.idx.msk [tilespmem:v61+s14+$0x0], $0xffff  }
0x163: {  	v21 =	vmul.f32 v21, v34  }
0x164: {  	v5 =	vadd.f32 v48, v5;
	v48 =	vld [tilespmem:$0x1FF90];
	v9 =	vor.u32 v26, v43;
	v24 =	vadd.f32 v8, v35  }
0x165: {  	[tilespmem:$0x1FB70] =	vst v40;
	v40 =	vld [tilespmem:$0x1FF80]  }
0x166: {  	v21 =	vadd.f32 v21, v58;
	v20 =	vadd.f32 v20, v24;
	v24 =	vld [tilespmem:$0x1FCF0]  }
0x167: {  	[tilespmem:$0x1FB80] =	vst v41;
	v41 =	vld [tilespmem:$0x1FFF0];
	v5 =	vadd.f32 v25, v5;
	v25 =	vadd.f32 v55, v14;
	v14 =	vmul.f32 v15, v16  }
0x168: {  	[tilespmem:$0x1FBC0] =	vst v36;
	v36 =	vld [tilespmem:$0x1FF30]  }
0x169: {  	v10 =	vadd.f32 v10, v21;
	v19 =	vor.u32 v48, v0;
	[tilespmem:$0x1FC80] =	vst v14;
	v14 =	vld.idx.msk [tilespmem:v9+s3+$0x0], $0xffff  }
0x16a: {  	[tilespmem:$0x1FC30] =	vst v25;
	v9 =	vor.u32 v40, v26;
	v25 =	vld [tilespmem:$0x1FD60]  }
0x16b: {  	v63 =	vmovc v39;
	v17 =	vadd.f32 v56, v17;
	v39 =	vor.u32 v30, v26;
	v56 =	vadd.f32 v24, v10;
	v24 =	vld [tilespmem:$0x1FD00]  }
0x16c: {  	v18 =	vor.u32 v41, v0  }
0x16d: {  	v61 =	vor.u32 v13, v26  }
0x16e: {  	v19 =	vld.idx.msk [tilespmem:v19+s14+$0x0], $0xffff;
	v55 =	vadd.f32 v51, v60  }
0x16f: {  	v4 =	vadd.f32 v27, v4;
	v11 =	vor.u32 v36, v0;
	v9 =	vld.idx.msk [tilespmem:v9+s14+$0x0], $0xffff  }
0x170: {  	v21 =	vld.idx.msk [tilespmem:v39+s14+$0x0], $0xffff;
	v59 =	vadd.f32 v59, v25;
	v27 =	vadd.f32 v24, v55  }
0x171: {  	v6 =	vld.idx.msk [tilespmem:v18+s14+$0x0], $0xffff  }
0x172: {  	v32 =	vld.idx.msk [tilespmem:v61+s14+$0x0], $0xffff;
	v61 =	vadd.f32 v52, v27;
	v27 =	vadd.f32 v54, v59  }
0x173: {  	v39 =	vld [tilespmem:$0x1FF40];
	v10 =	vmul.f32 v19, v16  }
0x174: {  	v9 =	vmul.f32 v9, v14;
	v52 =	vld.idx.msk [tilespmem:v11+s14+$0x0], $0xffff;
	v11 =	vadd.f32 v23, v27  }
0x175: {  	s31 =	sadd.s32 $0x3, s23;
	v62 =	vld [tilespmem:$0x1FFE0];
	[tilespmem:$0x1FCA0] =	vst v10  }
0x176: {  	v31 =	vor.u32 v36, v26;
	v10 =	vadd.s32 s31, v29;
	[tilespmem:$0x1FD10] =	vst v9;
	v9 =	vadd.f32 v12, v11  }
0x177: {  	v18 =	vor.u32 v40, v0;
	[tilespmem:$0x1FC40] =	vst v6;
	v6 =	vmov v44;
	v44 =	vld [tilespmem:$0x1FFB0];
	v10 =	vand.u32 $0x3F, v10  }
0x178: {  	v58 =	vor.u32 v39, v10;
	[tilespmem:$0x1FD60] =	vst v9;
	v9 =	vld [tilespmem:$0x1FCB0];
	_ =	sdelay $0x1  }
0x179: {  	v3 =	vld.idx.msk [tilespmem:v3+s14+$0x0], $0xffff;
	v37 =	vor.u32 v62, v0  }
0x17a: {  	v4 =	vadd.f32 v46, v4;
	v46 =	vld.idx.msk [tilespmem:v31+s14+$0x0], $0xffff;
	[tilespmem:$0x1FC20] =	vst v2;
	v2 =	vor.u32 v41, v26  }
0x17b: {  	v33 =	vor.u32 v48, v26;
	v18 =	vld.idx.msk [tilespmem:v18+s14+$0x0], $0xffff;
	v15 =	vor.u32 v44, v26;
	v19 =	vadd.f32 v53, v20  }
0x17c: {  	v59 =	vld.idx.msk [tilespmem:v58+s14+$0x0], $0xffff;
	v58 =	vadd.f32 v42, v56;
	v5 =	vadd.f32 v9, v5;
	v9 =	vadd.s32 s23, v29  }
0x17d: {  	v42 =	vadd.f32 v49, v28;
	v49 =	vand.u32 $0x3F, v9;
	v56 =	vor.u32 v9, v43;
	v9 =	vld [tilespmem:$0x1FB70]  }
0x17e: {  	v8 =	vld.idx.msk [tilespmem:v37+s14+$0x0], $0xffff;
	v35 =	vor.u32 v62, v26  }
0x17f: {  	v2 =	vld.idx.msk [tilespmem:v2+s14+$0x0], $0xffff;
	[tilespmem:$0x1FC60] =	vst v19;
	v19 =	vor.u32 v39, v26  }
0x180: {  	v3 =	vmul.f32 v3, v34;
	v20 =	vld.idx.msk [tilespmem:v33+s14+$0x0], $0xffff;
	v33 =	vor.u32 v44, v10  }
0x181: {  	v15 =	vld.idx.msk [tilespmem:v15+s14+$0x0], $0xffff;
	v51 =	vor.u32 v10, v43  }
0x182: {  	v3 =	vadd.f32 v3, v9;
	v9 =	vld [tilespmem:$0x1FB80]  }
0x183: {  	v60 =	vor.u32 v62, v10;
	v55 =	vmul.f32 v21, v14;
	v21 =	vld.idx.msk [tilespmem:v35+s14+$0x0], $0xffff  }
0x184: {  	v17 =	vadd.f32 v38, v17;
	v38 =	vor.u32 v22, v0;
	v35 =	vld.idx.msk [tilespmem:v19+s14+$0x0], $0xffff  }
0x185: {  	v19 =	vmul.f32 v20, v14;
	v20 =	vmul.f32 v32, v14;
	v32 =	vld.idx.msk [tilespmem:v33+s14+$0x0], $0xffff  }
0x186: {  	v37 =	vld.idx.msk [tilespmem:v51+s3+$0x0], $0xffff  }
0x187: {  	v18 =	vmul.f32 v18, v16;
	v12 =	vmul.f32 v9, v34;
	v9 =	vld [tilespmem:$0x1FB90]  }
0x188: {  	v1 =	vmul.f32 v1, v14;
	v33 =	vld.idx.msk [tilespmem:v60+s14+$0x0], $0xffff  }
0x189: {  	[tilespmem:$0x1FCD0] =	vst v18;
	v18 =	vor.u32 v13, v10;
	v28 =	vld.idx.msk [tilespmem:v38+s14+$0x0], $0xffff  }
0x18a: {  	v53 =	vor.u32 v48, v10;
	[tilespmem:$0x1FCF0] =	vst v20;
	v20 =	vor.u32 v50, v26;
	v11 =	vmov v1;
	v1 =	vld [tilespmem:$0x1FD40]  }
0x18b: {  	v25 =	vor.u32 v36, v10;
	v31 =	vor.u32 v36, v49;
	v36 =	vadd.f32 v63, v3;
	v3 =	vld [tilespmem:$0x1FCC0]  }
0x18c: {  	v9 =	vadd.f32 v9, v57;
	v57 =	vadd.f32 v12, v6;
	v6 =	vld [tilespmem:$0x1FBA0]  }
0x18d: {  	v27 =	vor.u32 v44, v0;
	v63 =	vor.u32 v39, v0;
	v0 =	vld [tilespmem:$0x1FBC0]  }
0x18e: {  	v24 =	vor.u32 v50, v10;
	[tilespmem:$0x1FCE0] =	vst v19;
	v18 =	vld.idx.msk [tilespmem:v18+s14+$0x0], $0xffff  }
0x18f: {  	v19 =	vor.u32 v40, v10;
	v23 =	vmul.f32 v46, v14;
	v5 =	vadd.f32 v1, v5;
	v1 =	vld.idx.msk [tilespmem:v20+s14+$0x0], $0xffff  }
0x190: {  	v46 =	vor.u32 v41, v10;
	v20 =	vor.u32 v41, v49;
	v41 =	vld.idx.msk [tilespmem:v53+s14+$0x0], $0xffff  }
0x191: {  	[tilespmem:$0x1FD00] =	vst v23;
	v23 =	vor.u32 v30, v10;
	v53 =	vadd.f32 v3, v6;
	v3 =	vld [tilespmem:$0x1FBB0]  }
0x192: {  	[tilespmem:$0x1FCB0] =	vst v11;
	v11 =	vor.u32 v13, v49;
	v13 =	vadd.f32 v0, v17;
	v0 =	vld [tilespmem:$0x1FD30]  }
0x193: {  	v54 =	vor.u32 v7, v10;
	v24 =	vld.idx.msk [tilespmem:v24+s14+$0x0], $0xffff  }
0x194: {  	v19 =	vld.idx.msk [tilespmem:v19+s14+$0x0], $0xffff  }
0x195: {  	v51 =	vor.u32 v47, v10;
	v38 =	vor.u32 v30, v49;
	v60 =	vor.u32 v44, v49;
	v44 =	vld.idx.msk [tilespmem:v46+s14+$0x0], $0xffff  }
0x196: {  	v30 =	vor.u32 v39, v49;
	v46 =	vmul.f32 v2, v14;
	v2 =	vld.idx.msk [tilespmem:v23+s14+$0x0], $0xffff;
	v23 =	vadd.f32 v3, v57  }
0x197: {  	v17 =	vld.idx.msk [tilespmem:v25+s14+$0x0], $0xffff;
	v57 =	vmul.f32 v21, v14;
	v21 =	vadd.f32 v0, v36;
	v0 =	vmul.f32 v1, v14  }
0x198: {  	v34 =	vld.idx.msk [tilespmem:v54+s14+$0x0], $0xffff  }
0x199: {  	[tilespmem:$0x1FD30] =	vst v0;
	v0 =	vld [tilespmem:$0x1FBD0]  }
0x19a: {  	v25 =	vld.idx.msk [tilespmem:v51+s14+$0x0], $0xffff  }
0x19b: {  	v6 =	vld [tilespmem:$0x1FBE0]  }
0x19c: {  	v51 =	vmul.f32 v52, v16;
	v52 =	vmul.f32 v17, v37;
	v17 =	vld.idx.msk [tilespmem:v30+s14+$0x0], $0xffff  }
0x19d: {  	v2 =	vmul.f32 v2, v37;
	v1 =	vld.idx.msk [tilespmem:v27+s14+$0x0], $0xffff  }
0x19e: {  	v15 =	vmul.f32 v15, v14;
	v23 =	vadd.f32 v0, v23;
	v0 =	vld [tilespmem:$0x1FD50]  }
0x19f: {  	v12 =	vor.u32 v40, v49;
	[tilespmem:$0x1FD50] =	vst v2;
	v2 =	vld [tilespmem:$0x1FC00]  }
0x1a0: {  	v27 =	vmovc v15;
	v15 =	vor.u32 v62, v49;
	v62 =	vld [tilespmem:$0x1FC40];
	v40 =	vadd.f32 v6, v21;
	v6 =	vmul.f32 v34, v37  }
0x1a1: {  	v21 =	vld.idx.msk [tilespmem:v38+s14+$0x0], $0xffff  }
0x1a2: {  	[tilespmem:$0x1FD40] =	vst v6;
	v6 =	vld [tilespmem:$0x1FBF0]  }
0x1a3: {  	v34 =	vld.idx.msk [tilespmem:v56+s3+$0x0], $0xffff  }
0x1a4: {  	v4 =	vadd.f32 v45, v4;
	v45 =	vmul.f32 v44, v37;
	v44 =	vadd.f32 v2, v23;
	v2 =	vld [tilespmem:$0x1FC10]  }
0x1a5: {  	v24 =	vmul.f32 v24, v37;
	v56 =	vld.idx.msk [tilespmem:v63+s14+$0x0], $0xffff  }
0x1a6: {  	v54 =	vor.u32 v47, v49;
	v63 =	vor.u32 v22, v10;
	v10 =	vld [tilespmem:$0x1FC50]  }
0x1a7: {  	v38 =	vmov v24;
	v24 =	vld [tilespmem:$0x1FC30];
	v6 =	vadd.f32 v6, v42  }
0x1a8: {  	v29 =	vor.u32 v22, v49;
	v36 =	vmul.f32 v59, v37;
	v22 =	vld [tilespmem:$0x1FC70];
	v0 =	vadd.f32 v0, v53  }
0x1a9: {  	v53 =	vmul.f32 v41, v37;
	v41 =	vld.idx.msk [tilespmem:v60+s14+$0x0], $0xffff;
	v59 =	vadd.f32 v2, v6;
	v2 =	vmov v55  }
0x1aa: {  	p0 =	sne.s32 s22, $0x3C;
	v8 =	vmul.f32 v8, v16;
	[tilespmem:$0x1FCC0] =	vst v2;
	v2 =	vld [tilespmem:$0x1FC20]  }
.Ltmp1:
0x1ab: {  	v7 =	vor.u32 v7, v49;
	v25 =	vmul.f32 v25, v37;
	v10 =	vmul.f32 v10, v16;
	v60 =	vld.idx.msk [tilespmem:v54+s14+$0x0], $0xffff;
	(pc) =	sbr.rel @p0 .LBB2_5-.Ltmp1, $4  }
0x1ac: {  	v3 =	vor.u32 v50, v49;
	v21 =	vmul.f32 v21, v34;
	v55 =	vmul.f32 v19, v37;
	v19 =	vld.idx.msk [tilespmem:v20+s14+$0x0], $0xffff  }
0x1ad: {  	v42 =	vmul.f32 v18, v37;
	v18 =	vor.u32 v48, v49;
	v49 =	vmul.f32 v22, v16;
	v20 =	vld.idx.msk [tilespmem:v31+s14+$0x0], $0xffff  }
0x1ae: {  	v23 =	vmul.f32 v32, v37;
	v54 =	vmul.f32 v28, v16;
	v31 =	vld [tilespmem:$0x1FC60]  }
0x1af: {  	s22 =	sadd.s32 $0x4, s22;
	v6 =	vor.u32 v47, v26;
	v39 =	vmul.f32 v2, v16;
	v2 =	vld.idx.msk [tilespmem:v29+s14+$0x0], $0xffff;
	v29 =	vlaneseq.u32  }
0x1b0: {  	_ =	sdelay $0x3  }
0x1b1: {  	v15 =	vld.idx.msk [tilespmem:v15+s14+$0x0], $0xffff;
	_ =	sdelay $0x1  }
0x1b2: {  	v30 =	vld [tilespmem:$0x1FFD0];
	_ =	sdelay $0x2  }
0x1b3: {  	v11 =	vld.idx.msk [tilespmem:v11+s14+$0x0], $0xffff;
	v15 =	vmul.f32 v15, v34;
	_ =	sdelay $0x1  }
0x1b4: {  	v9 =	vadd.f32 v15, v9;
	v15 =	vor.u32 v30, v26  }
0x1b5: {  	v17 =	vmul.f32 v17, v34  }
0x1b6: {  	v7 =	vld.idx.msk [tilespmem:v7+s14+$0x0], $0xffff;
	v22 =	vmul.f32 v60, v34  }
0x1b7: {  	v12 =	vld.idx.msk [tilespmem:v12+s14+$0x0], $0xffff;
	v60 =	vmul.f32 v56, v16;
	v13 =	vadd.f32 v17, v13;
	v11 =	vmul.f32 v11, v34  }
0x1b8: {  	v18 =	vld.idx.msk [tilespmem:v18+s14+$0x0], $0xffff;
	v0 =	vadd.f32 v21, v0;
	v21 =	vadd.f32 v22, v59  }
0x1b9: {  	v59 =	vadd.f32 v11, v58;
	v11 =	vadd.f32 v60, v13;
	v13 =	vld.idx.msk [tilespmem:v15+s14+$0x0], $0xffff  }
0x1ba: {  	v15 =	vld [tilespmem:$0x1FC90]  }
0x1bb: {  	v47 =	vmul.f32 v20, v34;
	v7 =	vmul.f32 v7, v34;
	_ =	sdelay $0x1  }
0x1bc: {  	v17 =	vadd.f32 v47, v61;
	v61 =	vld [tilespmem:$0x1FCA0];
	v5 =	vadd.f32 v7, v5  }
0x1bd: {  	v12 =	vmul.f32 v12, v34;
	v18 =	vmul.f32 v18, v34  }
0x1be: {  	v5 =	vadd.f32 v15, v5;
	v15 =	vld [tilespmem:$0x1FCE0]  }
0x1bf: {  	v48 =	vadd.f32 v12, v24;
	v12 =	vadd.f32 v18, v31;
	_ =	sdelay $0x1  }
0x1c0: {  	v12 =	vadd.f32 v61, v12;
	_ =	sdelay $0x1  }
0x1c1: {  	v12 =	vadd.f32 v15, v12;
	_ =	sdelay $0x1  }
0x1c2: {  	v43 =	vadd.f32 v53, v12;
	v12 =	vld [tilespmem:$0x1FD60];
	_ =	sdelay $0x2  }
0x1c3: {  	v2 =	vmul.f32 v2, v34  }
0x1c4: {  	v50 =	vld [tilespmem:$0x1FCD0]  }
0x1c5: {  	v20 =	vld [tilespmem:$0x1FC80];
	v2 =	vadd.f32 v2, v12;
	_ =	sdelay $0x1  }
0x1c6: {  	v19 =	vmul.f32 v19, v34;
	v47 =	vld [tilespmem:$0x1FCC0];
	v13 =	vmul.f32 v13, v14;
	v2 =	vadd.f32 v54, v2  }
0x1c7: {  	v3 =	vld.idx.msk [tilespmem:v3+s14+$0x0], $0xffff  }
0x1c8: {  	v32 =	vmul.f32 v62, v16;
	v4 =	vadd.f32 v19, v4;
	v2 =	vadd.f32 v13, v2;
	v13 =	vld [tilespmem:$0x1FD50]  }
0x1c9: {  	v0 =	vadd.f32 v20, v0;
	v7 =	vadd.f32 v50, v48;
	v48 =	vld [tilespmem:$0x1FD00]  }
0x1ca: {  	v4 =	vadd.f32 v32, v4;
	v15 =	vld [tilespmem:$0x1FCF0]  }
0x1cb: {  	v56 =	vadd.f32 v49, v21;
	v0 =	vadd.f32 v47, v0;
	v50 =	vld [tilespmem:$0x1FCB0]  }
0x1cc: {  	v3 =	vmul.f32 v3, v34;
	v4 =	vadd.f32 v46, v4;
	v8 =	vadd.f32 v8, v9;
	v12 =	vld.idx.msk [tilespmem:v63+s14+$0x0], $0xffff  }
0x1cd: {  	v9 =	vadd.f32 v10, v59;
	v0 =	vadd.f32 v13, v0;
	v13 =	vld [tilespmem:$0x1FD40]  }
0x1ce: {  	v58 =	vadd.f32 v3, v40;
	v4 =	vadd.f32 v45, v4  }
0x1cf: {  	v6 =	vld.idx.msk [tilespmem:v6+s14+$0x0], $0xffff;
	s21 =	smul.u32 $0xC8, s21;
	v9 =	vadd.f32 v15, v9;
	v15 =	vadd.f32 v51, v17  }
0x1d0: {  	v1 =	vmul.f32 v1, v16;
	v62 =	vld [tilespmem:$0x1FD30];
	v8 =	vadd.f32 v57, v8;
	v5 =	vadd.f32 v50, v5  }
0x1d1: {  	v21 =	vld [tilespmem:$0x1FF90];
	v51 =	vmul.f32 v41, v34;
	v15 =	vadd.f32 v48, v15;
	v53 =	vadd.f32 v42, v9;
	[tilespmem:s21+$0x17820] =	vst v4  }
0x1d2: {  	v32 =	vld [tilespmem:$0x1FFB0];
	[tilespmem:s21+$0x17860] =	vst v43;
	v12 =	vmul.f32 v12, v37;
	v5 =	vadd.f32 v13, v5;
	v13 =	vmul.f32 v35, v14  }
0x1d3: {  	v61 =	vld [tilespmem:$0x1FD10];
	v15 =	vadd.f32 v52, v15;
	v52 =	vmul.f32 v33, v37;
	[tilespmem:s21+$0x17800] =	vst v0;
	v0 =	vadd.f32 v51, v44  }
0x1d4: {  	v31 =	vld [tilespmem:$0x1FFA0];
	v54 =	vmul.f32 v6, v14;
	[tilespmem:s21+$0x17840] =	vst v53;
	v2 =	vadd.f32 v12, v2;
	v11 =	vadd.f32 v13, v11  }
0x1d5: {  	v34 =	vld [tilespmem:$0x1FFC0];
	v59 =	vadd.f32 v52, v8;
	[tilespmem:s21+$0x17870] =	vst v15;
	v0 =	vadd.f32 v1, v0  }
0x1d6: {  	v48 =	vld [tilespmem:$0x1FFE0];
	v60 =	vadd.f32 v54, v56;
	[tilespmem:s21+$0x17830] =	vst v2;
	v57 =	vadd.f32 v36, v11  }
0x1d7: {  	s20 =	sadd.s32 $0x1, s20;
	v33 =	vld [tilespmem:$0x1FF40];
	v2 =	vadd.f32 v39, v58;
	v0 =	vadd.f32 v27, v0;
	[tilespmem:s21+$0x17810] =	vst v5  }
0x1d8: {  	p0 =	sne.s32 s20, $0x40;
	s22 =	sand.u32 $0x7FF8, s21;
	v4 =	vadd.f32 v61, v7;
	v3 =	vadd.f32 v25, v60;
	v25 =	vld [tilespmem:$0x1FF60];
	[tilespmem:s21+$0x17850] =	vst v57  }
.Ltmp2:
0x1d9: {  	v2 =	vadd.f32 v62, v2;
	v35 =	vld [tilespmem:$0x1FF30];
	v0 =	vadd.f32 v23, v0;
	[tilespmem:s22+$0x17880] =	vst v59;
	(pc) =	sbr.rel @p0 .LBB2_2-.Ltmp2, $4  }
0x1da: {  	v63 =	vadd.f32 v55, v4;
	v14 =	vld [tilespmem:$0x1FF80];
	[tilespmem:s21+$0x17890] =	vst v3  }
0x1db: {  	v2 =	vadd.f32 v38, v2;
	v27 =	vld [tilespmem:$0x1FFF0];
	[tilespmem:s21+$0x178A0] =	vst v0  }
0x1dc: {  	v23 =	vld [tilespmem:$0x1FF50];
	[tilespmem:s21+$0x178B0] =	vst v63  }
0x1dd: {  	v36 =	vld [tilespmem:$0x1FF70];
	[tilespmem:s21+$0x178C0] =	vst v2  }
0x1de: {  	s19 =	sadd.s32 $0x1, s19  }
0x1df: {  	p0 =	sne.s32 s19, s7  }
.Ltmp3:
0x1e0: {  	_ = 	snop;
	(pc) =	sbr.rel @p0 .LBB2_1-.Ltmp3, $4  }
0x1e1: {  	[hbm4b:s6+s3] =	stream.linear.scatter [tilespmem:s18], [sflag:$0x3], $0x6400, $0x38;
	[tilespmem:$0x1DC80] =	vst v63  }
0x1e2: {  	_ =	swait.ge [sflag:s8], $0x6400  }
0x1e3: {  	[sflag:s8] =	ssyncset.done $0x0  }
0x1e4: {  	[sflag:s8] =	ssyncadd.s32 $0xFFFF9C00  }
0x1e5: {  	_ =	sfence.sel $0x180000  }
0x1e6: {  	[bflag:$0x0] =	sbarrier.arrive $0xFFFF  }
0x1e7: {  	p0 =	sne.s32 s2, $0x0;
	_ =	strace $0x90000047  }
0x1e8: {  	s0 =	sadd.s32 @!p0 $0x100000, s0;
	[bflag:$0x2] =	sbarrier.arrive $0xFFFF  }
0x1e9: {  	[sflag:s0] =	ssyncadd.tile.s32 @!p0 $0x1;
	_ =	shalt  }
.Lfunc_end2:
_tile_overlayer_lowered:
.L_overlay_start_2:
0x1ea: {  	(tag) =	ssettag $0x2  }
0x1eb: {  	s0 =	rddreg [dreg:$0x0];
	s2 =	stileid.u32  }
0x1ec: {  	s1 =	rddreg [dreg:$0x1];
	p0 =	sne.s32 s2, $0x0  }
0x1ed: {  	s3 =	rddreg [dreg:$0x2];
	[bflag:$0x3] =	sbarrier.arrive $0xFFFF;
	s2 =	simm.s32 @!p0 $0x1C03  }
0x1ee: {  	[timem:s3], [sflag:s2] =	dma.local @!p0 [hbm:s0], s1  }
0x1ef: {  	s0 =	simm.s32 @!p0 $0x3  }
0x1f0: {  	_ =	swait.ge @!p0 [sflag:s0], s1  }
0x1f1: {  	s1 =	ssub.s32 @!p0 $0x0, s1;
	[sflag:s0] =	ssyncset.done @!p0 $0x0  }
0x1f2: {  	[sflag:s0] =	ssyncadd.s32 @!p0 s1  }
0x1f3: {  	[bflag:$0x3] =	sbarrier.arrive $0xFFFF  }
0x1f4: {  	_ =	shalt  }

</sc_bundles>
